<compile_context>
chip_gen: v7x
topology: tpu7x:2x2x1
jax: 0.10.2.dev20260603
libtpu: 0.0.44.dev20260713+nightly
codegen_flags: <defaults>
</compile_context>

<pallas_src>
import functools

import jax
import jax.numpy as jnp
from jax import lax
from jax.experimental import pallas as pl
from jax.experimental.pallas import tpu as pltpu
from jax.experimental.pallas import tpu_sc as plsc

N = 10000
NPAD = 10240
E = 320000
D = 128
NC = 2
NS = 16
NW = NC * NS
EPW = E // NW
CH = 80
NCHUNK = EPW // CH
RPT = NPAD // NS

_mesh = plsc.VectorSubcoreMesh(core_axis_name="c", subcore_axis_name="s")


@functools.partial(
    pl.kernel,
    out_type=jax.ShapeDtypeStruct((NC, NPAD, D), jnp.float32),
    mesh=_mesh,
    scratch_types=[
        pltpu.VMEM((CH,), jnp.int32),
        pltpu.VMEM((CH,), jnp.int32),
        pltpu.VMEM((CH, D), jnp.float32),
        pltpu.VMEM((CH, D), jnp.float32),
        pltpu.VMEM_SHARED((NPAD, D), jnp.float32),
    ],
)
def _sc_degrees(src, dst, onesa, onesb, zerosd, out,
                idx_s, idx_d, onesa_v, onesb_v, deg):
    c = lax.axis_index("c")
    s = lax.axis_index("s")
    wid = c * NS + s
    r0 = pl.multiple_of(s * RPT, 8)
    e0 = pl.multiple_of(wid * EPW, 8)
    pltpu.sync_copy(zerosd.at[pl.ds(r0, RPT)], deg.at[pl.ds(r0, RPT)])
    pltpu.sync_copy(onesa, onesa_v)
    pltpu.sync_copy(onesb, onesb_v)
    plsc.subcore_barrier()

    def body(j, carry):
        off = pl.multiple_of(e0 + j * CH, 8)
        pltpu.sync_copy(src.at[pl.ds(off, CH)], idx_s)
        pltpu.sync_copy(dst.at[pl.ds(off, CH)], idx_d)
        pltpu.sync_copy(onesa_v, deg.at[idx_s], add=True)
        pltpu.sync_copy(onesb_v, deg.at[idx_d], add=True)
        return carry

    lax.fori_loop(0, NCHUNK, body, 0)
    plsc.subcore_barrier()
    pltpu.sync_copy(deg.at[pl.ds(r0, RPT)], out.at[c, pl.ds(r0, RPT)])


EP = 327680
EPW2 = EP // NW
CH2 = 80
NCH2 = EPW2 // CH2


@functools.partial(
    pl.kernel,
    out_type=jax.ShapeDtypeStruct((NC, NPAD, D), jnp.float32),
    mesh=_mesh,
    scratch_types=[
        pltpu.VMEM((CH2,), jnp.int32),
        pltpu.VMEM((CH2,), jnp.int32),
        pltpu.VMEM((CH2,), jnp.int32),
        pltpu.VMEM((CH2,), jnp.int32),
        pltpu.VMEM((CH2, D), jnp.float32),
        pltpu.VMEM((CH2, D), jnp.float32),
        pltpu.SemaphoreType.DMA,
        pltpu.SemaphoreType.DMA,
        pltpu.SemaphoreType.DMA,
        pltpu.SemaphoreType.DMA,
        pltpu.VMEM_SHARED((NPAD, D), jnp.float32),
    ],
)
def _sc_propagate(h, srcp, dstp, zerosd, out,
                  idx_s0, idx_d0, idx_s1, idx_d1, rows0, rows1,
                  gs0, gs1, ss0, ss1, agg):
    c = lax.axis_index("c")
    s = lax.axis_index("s")
    wid = c * NS + s
    r0 = pl.multiple_of(s * RPT, 8)
    e0 = pl.multiple_of(wid * EPW2, 8)
    pltpu.sync_copy(zerosd.at[pl.ds(r0, RPT)], agg.at[pl.ds(r0, RPT)])
    plsc.subcore_barrier()

    def body(k, carry):
        offa = pl.multiple_of(e0 + (2 * k) * CH2, 8)
        offb = pl.multiple_of(e0 + (2 * k + 1) * CH2, 8)
        pltpu.sync_copy(srcp.at[pl.ds(offa, CH2)], idx_s0)
        pltpu.sync_copy(dstp.at[pl.ds(offa, CH2)], idx_d0)
        ga = pltpu.async_copy(h.at[idx_s0], rows0, gs0)
        pltpu.sync_copy(srcp.at[pl.ds(offb, CH2)], idx_s1)
        pltpu.sync_copy(dstp.at[pl.ds(offb, CH2)], idx_d1)
        gb = pltpu.async_copy(h.at[idx_s1], rows1, gs1)
        ga.wait()
        pltpu.sync_copy(rows0, agg.at[idx_d0], add=True)
        gb.wait()
        pltpu.sync_copy(rows1, agg.at[idx_d1], add=True)
        return carry

    lax.fori_loop(0, NCH2 // 2, body, 0)
    plsc.subcore_barrier()
    pltpu.sync_copy(agg.at[pl.ds(r0, RPT)], out.at[c, pl.ds(r0, RPT)])


BN = 1000


def _tc_prep_body(degp_ref, feat_ref, h1_ref, nsrc_ref, ndst_ref):
    a = degp_ref[...]
    dsrc = a[0, :, 0:1] + a[1, :, 0:1]
    ddst = a[0, :, 1:2] + a[1, :, 1:2]
    ns = lax.rsqrt(jnp.maximum(dsrc, 1.0))
    nd = lax.rsqrt(jnp.maximum(ddst, 1.0))
    h1_ref[...] = feat_ref[...] * ns
    nsrc_ref[...] = ns
    ndst_ref[...] = nd


def _tc_prep(degp, features):
    grid = N // BN
    return pl.pallas_call(
        _tc_prep_body,
        grid=(grid,),
        in_specs=[
            pl.BlockSpec((NC, BN, D), lambda i: (0, i, 0)),
            pl.BlockSpec((BN, D), lambda i: (i, 0)),
        ],
        out_specs=[
            pl.BlockSpec((BN, D), lambda i: (i, 0)),
            pl.BlockSpec((BN, 1), lambda i: (i, 0)),
            pl.BlockSpec((BN, 1), lambda i: (i, 0)),
        ],
        out_shape=[
            jax.ShapeDtypeStruct((N, D), jnp.float32),
            jax.ShapeDtypeStruct((N, 1), jnp.float32),
            jax.ShapeDtypeStruct((N, 1), jnp.float32),
        ],
    )(degp, features)


def _tc_layer_body(aggp_ref, ndst_ref, w_ref, b_ref, nsrc_ref, out_ref, *, last):
    p = (aggp_ref[0] + aggp_ref[1]) * ndst_ref[...]
    y = jnp.dot(p, w_ref[...], preferred_element_type=jnp.float32) + b_ref[...]
    if last:
        out_ref[...] = y
    else:
        out_ref[...] = jnp.maximum(y, 0.0) * nsrc_ref[...]


def _tc_layer(aggp, ndst, w, b, nsrc, last):
    grid = N // BN
    return pl.pallas_call(
        functools.partial(_tc_layer_body, last=last),
        grid=(grid,),
        in_specs=[
            pl.BlockSpec((NC, BN, D), lambda i: (0, i, 0)),
            pl.BlockSpec((BN, 1), lambda i: (i, 0)),
            pl.BlockSpec((D, D), lambda i: (0, 0)),
            pl.BlockSpec((1, D), lambda i: (0, 0)),
            pl.BlockSpec((BN, 1), lambda i: (i, 0)),
        ],
        out_specs=pl.BlockSpec((BN, D), lambda i: (i, 0)),
        out_shape=jax.ShapeDtypeStruct((N, D), jnp.float32),
    )(aggp, ndst, w, b.reshape(1, D), nsrc)


def kernel(features, edge_index, W1, b1, W2, b2, W3, b3):
    src = edge_index[0].astype(jnp.int32)
    dst = edge_index[1].astype(jnp.int32)
    srcp = jnp.concatenate([src, jnp.zeros((EP - E,), jnp.int32)])
    dstp = jnp.concatenate([dst, jnp.full((EP - E,), N, jnp.int32)])
    onesa = jnp.zeros((CH, D), jnp.float32).at[:, 0].set(1.0)
    onesb = jnp.zeros((CH, D), jnp.float32).at[:, 1].set(1.0)
    zerosd = jnp.zeros((NPAD, D), jnp.float32)

    degp = _sc_degrees(src, dst, onesa, onesb, zerosd)
    h, nsrc, ndst = _tc_prep(degp, features)
    for w, b, last in ((W1, b1, False), (W2, b2, False), (W3, b3, True)):
        aggp = _sc_propagate(h, srcp, dstp, zerosd)
        h = _tc_layer(aggp, ndst, w, b, nsrc, last)
    return h

# --- scband reference (transcript-rebuilt; emitter-appended) ---
"""Pipeline reference for scband-gcnmodel-386547056688 (READ-ONLY COPY).

The authoritative reference and input builder live on the scoring server;
editing this copy changes nothing except your own understanding.
"""

import jax, jax.numpy as jnp
import numpy as np

N_NODES = 10000
N_EDGES = 320000
D_IN = 128
D_HID = 128
D_OUT = 128


def setup_inputs(seed: int = 0) -> dict:
    key = jax.random.key(seed)
    ks = jax.random.split(key, 8)
    features = jax.random.normal(ks[0], (N_NODES, D_IN), dtype=jnp.float32)
    edge_index = jax.random.randint(ks[1], (2, N_EDGES), 0, N_NODES)
    s1 = 1.0 / np.sqrt(D_IN)
    s2 = 1.0 / np.sqrt(D_HID)
    W1 = jax.random.normal(ks[2], (D_IN, D_HID), dtype=jnp.float32) * s1
    b1 = jnp.zeros((D_HID,), dtype=jnp.float32)
    W2 = jax.random.normal(ks[3], (D_HID, D_HID), dtype=jnp.float32) * s2
    b2 = jnp.zeros((D_HID,), dtype=jnp.float32)
    W3 = jax.random.normal(ks[4], (D_HID, D_OUT), dtype=jnp.float32) * s2
    b3 = jnp.zeros((D_OUT,), dtype=jnp.float32)
    return {"features": features, "edge_index": edge_index,
            "W1": W1, "b1": b1, "W2": W2, "b2": b2, "W3": W3, "b3": b3}


def _gcn_layer(x, W, b, src, dst, norm_src, norm_dst, n_nodes):
    # DGL GraphConv, norm='both': D^{-1/2} A D^{-1/2} X W + b
    h = x * norm_src[:, None]
    m = jnp.take(h, src, axis=0)              # gather per-edge src features
    agg = jax.ops.segment_sum(m, dst, num_segments=n_nodes)  # scatter-add to dst
    agg = agg * norm_dst[:, None]
    return agg @ W + b


def reference(features, edge_index, W1, b1, W2, b2, W3, b3):
    n_nodes = features.shape[0]
    src = edge_index[0]
    dst = edge_index[1]
    deg_out = jnp.bincount(src, length=n_nodes).astype(jnp.float32)
    deg_in = jnp.bincount(dst, length=n_nodes).astype(jnp.float32)
    norm_src = jnp.power(jnp.clip(deg_out, 1.0, None), -0.5)
    norm_dst = jnp.power(jnp.clip(deg_in, 1.0, None), -0.5)

    x = _gcn_layer(features, W1, b1, src, dst, norm_src, norm_dst, n_nodes)
    x = jax.nn.relu(x)  # dropout=0 -> identity
    x = _gcn_layer(x, W2, b2, src, dst, norm_src, norm_dst, n_nodes)
    x = jax.nn.relu(x)
    x = _gcn_layer(x, W3, b3, src, dst, norm_src, norm_dst, n_nodes)
    return x

if __name__ == "__main__":
    import jax
    _d = setup_inputs()
    print(jax.jit(kernel)(*tuple(_d.values())))

</pallas_src>

<mosaic_0001>
#map = affine_map<(d0, d1) -> (0, 0)>
#map1 = affine_map<(d0, d1) -> (0)>
#map2 = affine_map<(d0, d1) -> (0, 0, 0)>
module attributes {stable_mosaic.version = 14 : i64} {
  func.func @_sc_propagate(%arg0: i32, %arg1: i32, %arg2: memref<10000x128xf32, #tpu.memory_space<hbm>>, %arg3: memref<327680xi32, #tpu.memory_space<hbm>>, %arg4: memref<327680xi32, #tpu.memory_space<hbm>>, %arg5: memref<10240x128xf32, #tpu.memory_space<hbm>>, %arg6: memref<2x10240x128xf32, #tpu.memory_space<hbm>>, %arg7: memref<80xi32, #tpu.memory_space<vmem>>, %arg8: memref<80xi32, #tpu.memory_space<vmem>>, %arg9: memref<80xi32, #tpu.memory_space<vmem>>, %arg10: memref<80xi32, #tpu.memory_space<vmem>>, %arg11: memref<80x128xf32, #tpu.memory_space<vmem>>, %arg12: memref<80x128xf32, #tpu.memory_space<vmem>>, %arg13: memref<!tpu.dma_semaphore, #tpu.memory_space<semaphore_mem>>, %arg14: memref<!tpu.dma_semaphore, #tpu.memory_space<semaphore_mem>>, %arg15: memref<!tpu.dma_semaphore, #tpu.memory_space<semaphore_mem>>, %arg16: memref<!tpu.dma_semaphore, #tpu.memory_space<semaphore_mem>>, %arg17: memref<10240x128xf32, #tpu.memory_space<vmem_shared>>) attributes {dimension_semantics = [#tpu.dimension_semantics<core_parallel>, #tpu.dimension_semantics<subcore_parallel>], iteration_bounds = array<i64: 2, 16>, scalar_prefetch = 0 : i64, scratch_operands = 11 : i64, tpu.core_type = #tpu.core_type<sc_vector_subcore>, window_params = [{transform_indices = #map}, {transform_indices = #map1}, {transform_indices = #map1}, {transform_indices = #map}, {transform_indices = #map2}]} {
    %mul3A = arith.constant 16 : i32
    %mul3A_0 = arith.muli %arg0, %mul3A : i32
    %add3A = arith.addi %mul3A_0, %arg1 : i32
    %mul3A_1 = arith.constant 640 : i32
    %mul3A_2 = arith.muli %arg1, %mul3A_1 : i32
    %multiple_of3A = tpu.assume_multiple %mul3A_2, 8 : i32
    %mul3A_3 = arith.constant 10240 : i32
    %mul3A_4 = arith.muli %add3A, %mul3A_3 : i32
    %multiple_of3A_5 = tpu.assume_multiple %mul3A_4, 8 : i32
    "tpu.region"() ({
      %run_scoped3A = tpu.sem_alloc : memref<!tpu.dma_semaphore, #tpu.memory_space<semaphore_mem>>
      %dma_start3A = arith.constant 0 : i32
      %dma_start3A_12 = tpu.memref_slice %arg17[%multiple_of3A, %dma_start3A] : memref<10240x128xf32, #tpu.memory_space<vmem_shared>> -> memref<640x128xf32, #tpu.memory_space<vmem_shared>>
      %dma_start3A_13 = arith.constant 0 : i32
      %dma_start3A_14 = tpu.memref_slice %arg5[%multiple_of3A, %dma_start3A_13] : memref<10240x128xf32, #tpu.memory_space<hbm>> -> memref<640x128xf32, #tpu.memory_space<hbm>>
      tpu.enqueue_dma source(%dma_start3A_14 : memref<640x128xf32, #tpu.memory_space<hbm>>) target(%dma_start3A_12 : memref<640x128xf32, #tpu.memory_space<vmem_shared>>) target_semaphore(%run_scoped3A : memref<!tpu.dma_semaphore, #tpu.memory_space<semaphore_mem>>)
      %dma_wait3A = arith.constant 0 : i32
      %dma_wait3A_15 = tpu.memref_slice %arg17[%multiple_of3A, %dma_wait3A] : memref<10240x128xf32, #tpu.memory_space<vmem_shared>> -> memref<640x128xf32, #tpu.memory_space<vmem_shared>>
      %dma_wait3A_16 = arith.constant 0 : i32
      %dma_wait3A_17 = tpu.memref_slice %arg5[%multiple_of3A, %dma_wait3A_16] : memref<10240x128xf32, #tpu.memory_space<hbm>> -> memref<640x128xf32, #tpu.memory_space<hbm>>
      tpu.wait_dma2 semaphore(%run_scoped3A : memref<!tpu.dma_semaphore, #tpu.memory_space<semaphore_mem>>) src(%dma_wait3A_17 : memref<640x128xf32, #tpu.memory_space<hbm>>) dst(%dma_wait3A_15 : memref<640x128xf32, #tpu.memory_space<vmem_shared>>)
      tpu.yield
    }) : () -> ()
    %barrier3A = arith.constant 0 : index
    tpu.barrier barrier_id(%barrier3A)
    %scan3A = arith.constant 0 : i32
    %scan3A_6 = arith.constant 0 : i32
    %scan3A_7 = arith.constant 64 : i32
    %scan3A_8 = arith.addi %scan3A_6, %scan3A_7 : i32
    %scan3A_9 = arith.constant 1 : i32
    scf.for %scan3A_12 = %scan3A_6 to %scan3A_8 step %scan3A_9  : i32 {
      %mul3A_13 = arith.constant 2 : i32
      %mul3A_14 = arith.muli %mul3A_13, %scan3A_12 : i32
      %mul3A_15 = arith.constant 80 : i32
      %mul3A_16 = arith.muli %mul3A_14, %mul3A_15 : i32
      %add3A_17 = arith.addi %multiple_of3A_5, %mul3A_16 : i32
      %multiple_of3A_18 = tpu.assume_multiple %add3A_17, 8 : i32
      %mul3A_19 = arith.constant 2 : i32
      %mul3A_20 = arith.muli %mul3A_19, %scan3A_12 : i32
      %add3A_21 = arith.constant 1 : i32
      %add3A_22 = arith.addi %mul3A_20, %add3A_21 : i32
      %mul3A_23 = arith.constant 80 : i32
      %mul3A_24 = arith.muli %add3A_22, %mul3A_23 : i32
      %add3A_25 = arith.addi %multiple_of3A_5, %mul3A_24 : i32
      %multiple_of3A_26 = tpu.assume_multiple %add3A_25, 8 : i32
      "tpu.region"() ({
        %run_scoped3A = tpu.sem_alloc : memref<!tpu.dma_semaphore, #tpu.memory_space<semaphore_mem>>
        %dma_start3A_37 = tpu.memref_slice %arg3[%multiple_of3A_18] : memref<327680xi32, #tpu.memory_space<hbm>> -> memref<80xi32, #tpu.memory_space<hbm>>
        %dma_start3A_38 = tpu.memref_slice %arg3[%multiple_of3A_18] : memref<327680xi32, #tpu.memory_space<hbm>> -> memref<80xi32, #tpu.memory_space<hbm>>
        tpu.enqueue_dma source(%dma_start3A_38 : memref<80xi32, #tpu.memory_space<hbm>>) target(%arg7 : memref<80xi32, #tpu.memory_space<vmem>>) target_semaphore(%run_scoped3A : memref<!tpu.dma_semaphore, #tpu.memory_space<semaphore_mem>>)
        %dma_wait3A_39 = tpu.memref_slice %arg3[%multiple_of3A_18] : memref<327680xi32, #tpu.memory_space<hbm>> -> memref<80xi32, #tpu.memory_space<hbm>>
        %dma_wait3A_40 = tpu.memref_slice %arg3[%multiple_of3A_18] : memref<327680xi32, #tpu.memory_space<hbm>> -> memref<80xi32, #tpu.memory_space<hbm>>
        tpu.wait_dma2 semaphore(%run_scoped3A : memref<!tpu.dma_semaphore, #tpu.memory_space<semaphore_mem>>) src(%dma_wait3A_40 : memref<80xi32, #tpu.memory_space<hbm>>) dst(%arg7 : memref<80xi32, #tpu.memory_space<vmem>>)
        tpu.yield
      }) : () -> ()
      "tpu.region"() ({
        %run_scoped3A = tpu.sem_alloc : memref<!tpu.dma_semaphore, #tpu.memory_space<semaphore_mem>>
        %dma_start3A_37 = tpu.memref_slice %arg4[%multiple_of3A_18] : memref<327680xi32, #tpu.memory_space<hbm>> -> memref<80xi32, #tpu.memory_space<hbm>>
        %dma_start3A_38 = tpu.memref_slice %arg4[%multiple_of3A_18] : memref<327680xi32, #tpu.memory_space<hbm>> -> memref<80xi32, #tpu.memory_space<hbm>>
        tpu.enqueue_dma source(%dma_start3A_38 : memref<80xi32, #tpu.memory_space<hbm>>) target(%arg8 : memref<80xi32, #tpu.memory_space<vmem>>) target_semaphore(%run_scoped3A : memref<!tpu.dma_semaphore, #tpu.memory_space<semaphore_mem>>)
        %dma_wait3A_39 = tpu.memref_slice %arg4[%multiple_of3A_18] : memref<327680xi32, #tpu.memory_space<hbm>> -> memref<80xi32, #tpu.memory_space<hbm>>
        %dma_wait3A_40 = tpu.memref_slice %arg4[%multiple_of3A_18] : memref<327680xi32, #tpu.memory_space<hbm>> -> memref<80xi32, #tpu.memory_space<hbm>>
        tpu.wait_dma2 semaphore(%run_scoped3A : memref<!tpu.dma_semaphore, #tpu.memory_space<semaphore_mem>>) src(%dma_wait3A_40 : memref<80xi32, #tpu.memory_space<hbm>>) dst(%arg8 : memref<80xi32, #tpu.memory_space<vmem>>)
        tpu.yield
      }) : () -> ()
      %dma_start3A = arith.constant 0 : i32
      %dma_start3A_27 = arith.constant 0 : i32
      %dma_start3A_28 = tpu.memref_slice %arg2[%dma_start3A, %dma_start3A_27] : memref<10000x128xf32, #tpu.memory_space<hbm>> -> memref<10000x128xf32, #tpu.memory_space<hbm>>
      tpu.enqueue_indirect_dma source(%dma_start3A_28 : memref<10000x128xf32, #tpu.memory_space<hbm>>) target(%arg11 : memref<80x128xf32, #tpu.memory_space<vmem>>) offsets(%arg7 : memref<80xi32, #tpu.memory_space<vmem>>) semaphore(%arg13 : memref<!tpu.dma_semaphore, #tpu.memory_space<semaphore_mem>>)
      "tpu.region"() ({
        %run_scoped3A = tpu.sem_alloc : memref<!tpu.dma_semaphore, #tpu.memory_space<semaphore_mem>>
        %dma_start3A_37 = tpu.memref_slice %arg3[%multiple_of3A_26] : memref<327680xi32, #tpu.memory_space<hbm>> -> memref<80xi32, #tpu.memory_space<hbm>>
        %dma_start3A_38 = tpu.memref_slice %arg3[%multiple_of3A_26] : memref<327680xi32, #tpu.memory_space<hbm>> -> memref<80xi32, #tpu.memory_space<hbm>>
        tpu.enqueue_dma source(%dma_start3A_38 : memref<80xi32, #tpu.memory_space<hbm>>) target(%arg9 : memref<80xi32, #tpu.memory_space<vmem>>) target_semaphore(%run_scoped3A : memref<!tpu.dma_semaphore, #tpu.memory_space<semaphore_mem>>)
        %dma_wait3A_39 = tpu.memref_slice %arg3[%multiple_of3A_26] : memref<327680xi32, #tpu.memory_space<hbm>> -> memref<80xi32, #tpu.memory_space<hbm>>
        %dma_wait3A_40 = tpu.memref_slice %arg3[%multiple_of3A_26] : memref<327680xi32, #tpu.memory_space<hbm>> -> memref<80xi32, #tpu.memory_space<hbm>>
        tpu.wait_dma2 semaphore(%run_scoped3A : memref<!tpu.dma_semaphore, #tpu.memory_space<semaphore_mem>>) src(%dma_wait3A_40 : memref<80xi32, #tpu.memory_space<hbm>>) dst(%arg9 : memref<80xi32, #tpu.memory_space<vmem>>)
        tpu.yield
      }) : () -> ()
      "tpu.region"() ({
        %run_scoped3A = tpu.sem_alloc : memref<!tpu.dma_semaphore, #tpu.memory_space<semaphore_mem>>
        %dma_start3A_37 = tpu.memref_slice %arg4[%multiple_of3A_26] : memref<327680xi32, #tpu.memory_space<hbm>> -> memref<80xi32, #tpu.memory_space<hbm>>
        %dma_start3A_38 = tpu.memref_slice %arg4[%multiple_of3A_26] : memref<327680xi32, #tpu.memory_space<hbm>> -> memref<80xi32, #tpu.memory_space<hbm>>
        tpu.enqueue_dma source(%dma_start3A_38 : memref<80xi32, #tpu.memory_space<hbm>>) target(%arg10 : memref<80xi32, #tpu.memory_space<vmem>>) target_semaphore(%run_scoped3A : memref<!tpu.dma_semaphore, #tpu.memory_space<semaphore_mem>>)
        %dma_wait3A_39 = tpu.memref_slice %arg4[%multiple_of3A_26] : memref<327680xi32, #tpu.memory_space<hbm>> -> memref<80xi32, #tpu.memory_space<hbm>>
        %dma_wait3A_40 = tpu.memref_slice %arg4[%multiple_of3A_26] : memref<327680xi32, #tpu.memory_space<hbm>> -> memref<80xi32, #tpu.memory_space<hbm>>
        tpu.wait_dma2 semaphore(%run_scoped3A : memref<!tpu.dma_semaphore, #tpu.memory_space<semaphore_mem>>) src(%dma_wait3A_40 : memref<80xi32, #tpu.memory_space<hbm>>) dst(%arg10 : memref<80xi32, #tpu.memory_space<vmem>>)
        tpu.yield
      }) : () -> ()
      %dma_start3A_29 = arith.constant 0 : i32
      %dma_start3A_30 = arith.constant 0 : i32
      %dma_start3A_31 = tpu.memref_slice %arg2[%dma_start3A_29, %dma_start3A_30] : memref<10000x128xf32, #tpu.memory_space<hbm>> -> memref<10000x128xf32, #tpu.memory_space<hbm>>
      tpu.enqueue_indirect_dma source(%dma_start3A_31 : memref<10000x128xf32, #tpu.memory_space<hbm>>) target(%arg12 : memref<80x128xf32, #tpu.memory_space<vmem>>) offsets(%arg9 : memref<80xi32, #tpu.memory_space<vmem>>) semaphore(%arg14 : memref<!tpu.dma_semaphore, #tpu.memory_space<semaphore_mem>>)
      %dma_wait3A = arith.constant 0 : i32
      %dma_wait3A_32 = arith.constant 0 : i32
      %dma_wait3A_33 = tpu.memref_slice %arg2[%dma_wait3A, %dma_wait3A_32] : memref<10000x128xf32, #tpu.memory_space<hbm>> -> memref<10000x128xf32, #tpu.memory_space<hbm>>
      tpu.wait_indirect_dma semaphore(%arg13 : memref<!tpu.dma_semaphore, #tpu.memory_space<semaphore_mem>>) src(%dma_wait3A_33 : memref<10000x128xf32, #tpu.memory_space<hbm>>) dst(%arg11 : memref<80x128xf32, #tpu.memory_space<vmem>>)
      "tpu.region"() ({
        %run_scoped3A = tpu.sem_alloc : memref<!tpu.dma_semaphore, #tpu.memory_space<semaphore_mem>>
        %dma_start3A_37 = arith.constant 0 : i32
        %dma_start3A_38 = arith.constant 0 : i32
        %dma_start3A_39 = tpu.memref_slice %arg17[%dma_start3A_37, %dma_start3A_38] : memref<10240x128xf32, #tpu.memory_space<vmem_shared>> -> memref<10240x128xf32, #tpu.memory_space<vmem_shared>>
        tpu.enqueue_indirect_dma source(%arg11 : memref<80x128xf32, #tpu.memory_space<vmem>>) target(%dma_start3A_39 : memref<10240x128xf32, #tpu.memory_space<vmem_shared>>) offsets(%arg8 : memref<80xi32, #tpu.memory_space<vmem>>) semaphore(%run_scoped3A : memref<!tpu.dma_semaphore, #tpu.memory_space<semaphore_mem>>) {add = true}
        %dma_wait3A_40 = arith.constant 0 : i32
        %dma_wait3A_41 = arith.constant 0 : i32
        %dma_wait3A_42 = tpu.memref_slice %arg17[%dma_wait3A_40, %dma_wait3A_41] : memref<10240x128xf32, #tpu.memory_space<vmem_shared>> -> memref<10240x128xf32, #tpu.memory_space<vmem_shared>>
        tpu.wait_indirect_dma semaphore(%run_scoped3A : memref<!tpu.dma_semaphore, #tpu.memory_space<semaphore_mem>>) src(%arg11 : memref<80x128xf32, #tpu.memory_space<vmem>>) dst(%dma_wait3A_42 : memref<10240x128xf32, #tpu.memory_space<vmem_shared>>)
        tpu.yield
      }) : () -> ()
      %dma_wait3A_34 = arith.constant 0 : i32
      %dma_wait3A_35 = arith.constant 0 : i32
      %dma_wait3A_36 = tpu.memref_slice %arg2[%dma_wait3A_34, %dma_wait3A_35] : memref<10000x128xf32, #tpu.memory_space<hbm>> -> memref<10000x128xf32, #tpu.memory_space<hbm>>
      tpu.wait_indirect_dma semaphore(%arg14 : memref<!tpu.dma_semaphore, #tpu.memory_space<semaphore_mem>>) src(%dma_wait3A_36 : memref<10000x128xf32, #tpu.memory_space<hbm>>) dst(%arg12 : memref<80x128xf32, #tpu.memory_space<vmem>>)
      "tpu.region"() ({
        %run_scoped3A = tpu.sem_alloc : memref<!tpu.dma_semaphore, #tpu.memory_space<semaphore_mem>>
        %dma_start3A_37 = arith.constant 0 : i32
        %dma_start3A_38 = arith.constant 0 : i32
        %dma_start3A_39 = tpu.memref_slice %arg17[%dma_start3A_37, %dma_start3A_38] : memref<10240x128xf32, #tpu.memory_space<vmem_shared>> -> memref<10240x128xf32, #tpu.memory_space<vmem_shared>>
        tpu.enqueue_indirect_dma source(%arg12 : memref<80x128xf32, #tpu.memory_space<vmem>>) target(%dma_start3A_39 : memref<10240x128xf32, #tpu.memory_space<vmem_shared>>) offsets(%arg10 : memref<80xi32, #tpu.memory_space<vmem>>) semaphore(%run_scoped3A : memref<!tpu.dma_semaphore, #tpu.memory_space<semaphore_mem>>) {add = true}
        %dma_wait3A_40 = arith.constant 0 : i32
        %dma_wait3A_41 = arith.constant 0 : i32
        %dma_wait3A_42 = tpu.memref_slice %arg17[%dma_wait3A_40, %dma_wait3A_41] : memref<10240x128xf32, #tpu.memory_space<vmem_shared>> -> memref<10240x128xf32, #tpu.memory_space<vmem_shared>>
        tpu.wait_indirect_dma semaphore(%run_scoped3A : memref<!tpu.dma_semaphore, #tpu.memory_space<semaphore_mem>>) src(%arg12 : memref<80x128xf32, #tpu.memory_space<vmem>>) dst(%dma_wait3A_42 : memref<10240x128xf32, #tpu.memory_space<vmem_shared>>)
        tpu.yield
      }) : () -> ()
    }
    %scan3A_10 = arith.constant 64 : i32
    %barrier3A_11 = arith.constant 0 : index
    tpu.barrier barrier_id(%barrier3A_11)
    "tpu.region"() ({
      %run_scoped3A = tpu.sem_alloc : memref<!tpu.dma_semaphore, #tpu.memory_space<semaphore_mem>>
      %dma_start3A = arith.constant 0 : i32
      %dma_start3A_12 = tpu.memref_slice %arg6[%arg0, %multiple_of3A, %dma_start3A] : memref<2x10240x128xf32, #tpu.memory_space<hbm>> -> memref<1x640x128xf32, #tpu.memory_space<hbm>>
      %dma_start3A_13 = tpu.memref_squeeze %dma_start3A_12 : memref<1x640x128xf32, #tpu.memory_space<hbm>> -> memref<640x128xf32, #tpu.memory_space<hbm>>
      %dma_start3A_14 = arith.constant 0 : i32
      %dma_start3A_15 = tpu.memref_slice %arg17[%multiple_of3A, %dma_start3A_14] : memref<10240x128xf32, #tpu.memory_space<vmem_shared>> -> memref<640x128xf32, #tpu.memory_space<vmem_shared>>
      tpu.enqueue_dma source(%dma_start3A_15 : memref<640x128xf32, #tpu.memory_space<vmem_shared>>) target(%dma_start3A_13 : memref<640x128xf32, #tpu.memory_space<hbm>>) target_semaphore(%run_scoped3A : memref<!tpu.dma_semaphore, #tpu.memory_space<semaphore_mem>>)
      %dma_wait3A = arith.constant 0 : i32
      %dma_wait3A_16 = tpu.memref_slice %arg6[%arg0, %multiple_of3A, %dma_wait3A] : memref<2x10240x128xf32, #tpu.memory_space<hbm>> -> memref<1x640x128xf32, #tpu.memory_space<hbm>>
      %dma_wait3A_17 = tpu.memref_squeeze %dma_wait3A_16 : memref<1x640x128xf32, #tpu.memory_space<hbm>> -> memref<640x128xf32, #tpu.memory_space<hbm>>
      %dma_wait3A_18 = arith.constant 0 : i32
      %dma_wait3A_19 = tpu.memref_slice %arg17[%multiple_of3A, %dma_wait3A_18] : memref<10240x128xf32, #tpu.memory_space<vmem_shared>> -> memref<640x128xf32, #tpu.memory_space<vmem_shared>>
      tpu.wait_dma2 semaphore(%run_scoped3A : memref<!tpu.dma_semaphore, #tpu.memory_space<semaphore_mem>>) src(%dma_wait3A_19 : memref<640x128xf32, #tpu.memory_space<vmem_shared>>) dst(%dma_wait3A_17 : memref<640x128xf32, #tpu.memory_space<hbm>>)
      tpu.yield
    }) : () -> ()
    return
  }
}

#map = affine_map<(d0, d1) -> (0)>
#map1 = affine_map<(d0, d1) -> (0, 0)>
#map2 = affine_map<(d0, d1) -> (0, 0, 0)>
module attributes {stable_mosaic.version = 14 : i64} {
  func.func @_sc_degrees(%arg0: i32, %arg1: i32, %arg2: memref<320000xi32, #tpu.memory_space<hbm>>, %arg3: memref<320000xi32, #tpu.memory_space<hbm>>, %arg4: memref<80x128xf32, #tpu.memory_space<hbm>>, %arg5: memref<80x128xf32, #tpu.memory_space<hbm>>, %arg6: memref<10240x128xf32, #tpu.memory_space<hbm>>, %arg7: memref<2x10240x128xf32, #tpu.memory_space<hbm>>, %arg8: memref<80xi32, #tpu.memory_space<vmem>>, %arg9: memref<80xi32, #tpu.memory_space<vmem>>, %arg10: memref<80x128xf32, #tpu.memory_space<vmem>>, %arg11: memref<80x128xf32, #tpu.memory_space<vmem>>, %arg12: memref<10240x128xf32, #tpu.memory_space<vmem_shared>>) attributes {dimension_semantics = [#tpu.dimension_semantics<core_parallel>, #tpu.dimension_semantics<subcore_parallel>], iteration_bounds = array<i64: 2, 16>, scalar_prefetch = 0 : i64, scratch_operands = 5 : i64, tpu.core_type = #tpu.core_type<sc_vector_subcore>, window_params = [{transform_indices = #map}, {transform_indices = #map}, {transform_indices = #map1}, {transform_indices = #map1}, {transform_indices = #map1}, {transform_indices = #map2}]} {
    %mul3A = arith.constant 16 : i32
    %mul3A_0 = arith.muli %arg0, %mul3A : i32
    %add3A = arith.addi %mul3A_0, %arg1 : i32
    %mul3A_1 = arith.constant 640 : i32
    %mul3A_2 = arith.muli %arg1, %mul3A_1 : i32
    %multiple_of3A = tpu.assume_multiple %mul3A_2, 8 : i32
    %mul3A_3 = arith.constant 10000 : i32
    %mul3A_4 = arith.muli %add3A, %mul3A_3 : i32
    %multiple_of3A_5 = tpu.assume_multiple %mul3A_4, 8 : i32
    "tpu.region"() ({
      %run_scoped3A = tpu.sem_alloc : memref<!tpu.dma_semaphore, #tpu.memory_space<semaphore_mem>>
      %dma_start3A = arith.constant 0 : i32
      %dma_start3A_12 = tpu.memref_slice %arg12[%multiple_of3A, %dma_start3A] : memref<10240x128xf32, #tpu.memory_space<vmem_shared>> -> memref<640x128xf32, #tpu.memory_space<vmem_shared>>
      %dma_start3A_13 = arith.constant 0 : i32
      %dma_start3A_14 = tpu.memref_slice %arg6[%multiple_of3A, %dma_start3A_13] : memref<10240x128xf32, #tpu.memory_space<hbm>> -> memref<640x128xf32, #tpu.memory_space<hbm>>
      tpu.enqueue_dma source(%dma_start3A_14 : memref<640x128xf32, #tpu.memory_space<hbm>>) target(%dma_start3A_12 : memref<640x128xf32, #tpu.memory_space<vmem_shared>>) target_semaphore(%run_scoped3A : memref<!tpu.dma_semaphore, #tpu.memory_space<semaphore_mem>>)
      %dma_wait3A = arith.constant 0 : i32
      %dma_wait3A_15 = tpu.memref_slice %arg12[%multiple_of3A, %dma_wait3A] : memref<10240x128xf32, #tpu.memory_space<vmem_shared>> -> memref<640x128xf32, #tpu.memory_space<vmem_shared>>
      %dma_wait3A_16 = arith.constant 0 : i32
      %dma_wait3A_17 = tpu.memref_slice %arg6[%multiple_of3A, %dma_wait3A_16] : memref<10240x128xf32, #tpu.memory_space<hbm>> -> memref<640x128xf32, #tpu.memory_space<hbm>>
      tpu.wait_dma2 semaphore(%run_scoped3A : memref<!tpu.dma_semaphore, #tpu.memory_space<semaphore_mem>>) src(%dma_wait3A_17 : memref<640x128xf32, #tpu.memory_space<hbm>>) dst(%dma_wait3A_15 : memref<640x128xf32, #tpu.memory_space<vmem_shared>>)
      tpu.yield
    }) : () -> ()
    "tpu.region"() ({
      %run_scoped3A = tpu.sem_alloc : memref<!tpu.dma_semaphore, #tpu.memory_space<semaphore_mem>>
      tpu.enqueue_dma source(%arg4 : memref<80x128xf32, #tpu.memory_space<hbm>>) target(%arg10 : memref<80x128xf32, #tpu.memory_space<vmem>>) target_semaphore(%run_scoped3A : memref<!tpu.dma_semaphore, #tpu.memory_space<semaphore_mem>>)
      tpu.wait_dma2 semaphore(%run_scoped3A : memref<!tpu.dma_semaphore, #tpu.memory_space<semaphore_mem>>) src(%arg4 : memref<80x128xf32, #tpu.memory_space<hbm>>) dst(%arg10 : memref<80x128xf32, #tpu.memory_space<vmem>>)
      tpu.yield
    }) : () -> ()
    "tpu.region"() ({
      %run_scoped3A = tpu.sem_alloc : memref<!tpu.dma_semaphore, #tpu.memory_space<semaphore_mem>>
      tpu.enqueue_dma source(%arg5 : memref<80x128xf32, #tpu.memory_space<hbm>>) target(%arg11 : memref<80x128xf32, #tpu.memory_space<vmem>>) target_semaphore(%run_scoped3A : memref<!tpu.dma_semaphore, #tpu.memory_space<semaphore_mem>>)
      tpu.wait_dma2 semaphore(%run_scoped3A : memref<!tpu.dma_semaphore, #tpu.memory_space<semaphore_mem>>) src(%arg5 : memref<80x128xf32, #tpu.memory_space<hbm>>) dst(%arg11 : memref<80x128xf32, #tpu.memory_space<vmem>>)
      tpu.yield
    }) : () -> ()
    %barrier3A = arith.constant 0 : index
    tpu.barrier barrier_id(%barrier3A)
    %scan3A = arith.constant 0 : i32
    %scan3A_6 = arith.constant 0 : i32
    %scan3A_7 = arith.constant 125 : i32
    %scan3A_8 = arith.addi %scan3A_6, %scan3A_7 : i32
    %scan3A_9 = arith.constant 1 : i32
    scf.for %scan3A_12 = %scan3A_6 to %scan3A_8 step %scan3A_9  : i32 {
      %mul3A_13 = arith.constant 80 : i32
      %mul3A_14 = arith.muli %scan3A_12, %mul3A_13 : i32
      %add3A_15 = arith.addi %multiple_of3A_5, %mul3A_14 : i32
      %multiple_of3A_16 = tpu.assume_multiple %add3A_15, 8 : i32
      "tpu.region"() ({
        %run_scoped3A = tpu.sem_alloc : memref<!tpu.dma_semaphore, #tpu.memory_space<semaphore_mem>>
        %dma_start3A = tpu.memref_slice %arg2[%multiple_of3A_16] : memref<320000xi32, #tpu.memory_space<hbm>> -> memref<80xi32, #tpu.memory_space<hbm>>
        %dma_start3A_17 = tpu.memref_slice %arg2[%multiple_of3A_16] : memref<320000xi32, #tpu.memory_space<hbm>> -> memref<80xi32, #tpu.memory_space<hbm>>
        tpu.enqueue_dma source(%dma_start3A_17 : memref<80xi32, #tpu.memory_space<hbm>>) target(%arg8 : memref<80xi32, #tpu.memory_space<vmem>>) target_semaphore(%run_scoped3A : memref<!tpu.dma_semaphore, #tpu.memory_space<semaphore_mem>>)
        %dma_wait3A = tpu.memref_slice %arg2[%multiple_of3A_16] : memref<320000xi32, #tpu.memory_space<hbm>> -> memref<80xi32, #tpu.memory_space<hbm>>
        %dma_wait3A_18 = tpu.memref_slice %arg2[%multiple_of3A_16] : memref<320000xi32, #tpu.memory_space<hbm>> -> memref<80xi32, #tpu.memory_space<hbm>>
        tpu.wait_dma2 semaphore(%run_scoped3A : memref<!tpu.dma_semaphore, #tpu.memory_space<semaphore_mem>>) src(%dma_wait3A_18 : memref<80xi32, #tpu.memory_space<hbm>>) dst(%arg8 : memref<80xi32, #tpu.memory_space<vmem>>)
        tpu.yield
      }) : () -> ()
      "tpu.region"() ({
        %run_scoped3A = tpu.sem_alloc : memref<!tpu.dma_semaphore, #tpu.memory_space<semaphore_mem>>
        %dma_start3A = tpu.memref_slice %arg3[%multiple_of3A_16] : memref<320000xi32, #tpu.memory_space<hbm>> -> memref<80xi32, #tpu.memory_space<hbm>>
        %dma_start3A_17 = tpu.memref_slice %arg3[%multiple_of3A_16] : memref<320000xi32, #tpu.memory_space<hbm>> -> memref<80xi32, #tpu.memory_space<hbm>>
        tpu.enqueue_dma source(%dma_start3A_17 : memref<80xi32, #tpu.memory_space<hbm>>) target(%arg9 : memref<80xi32, #tpu.memory_space<vmem>>) target_semaphore(%run_scoped3A : memref<!tpu.dma_semaphore, #tpu.memory_space<semaphore_mem>>)
        %dma_wait3A = tpu.memref_slice %arg3[%multiple_of3A_16] : memref<320000xi32, #tpu.memory_space<hbm>> -> memref<80xi32, #tpu.memory_space<hbm>>
        %dma_wait3A_18 = tpu.memref_slice %arg3[%multiple_of3A_16] : memref<320000xi32, #tpu.memory_space<hbm>> -> memref<80xi32, #tpu.memory_space<hbm>>
        tpu.wait_dma2 semaphore(%run_scoped3A : memref<!tpu.dma_semaphore, #tpu.memory_space<semaphore_mem>>) src(%dma_wait3A_18 : memref<80xi32, #tpu.memory_space<hbm>>) dst(%arg9 : memref<80xi32, #tpu.memory_space<vmem>>)
        tpu.yield
      }) : () -> ()
      "tpu.region"() ({
        %run_scoped3A = tpu.sem_alloc : memref<!tpu.dma_semaphore, #tpu.memory_space<semaphore_mem>>
        %dma_start3A = arith.constant 0 : i32
        %dma_start3A_17 = arith.constant 0 : i32
        %dma_start3A_18 = tpu.memref_slice %arg12[%dma_start3A, %dma_start3A_17] : memref<10240x128xf32, #tpu.memory_space<vmem_shared>> -> memref<10240x128xf32, #tpu.memory_space<vmem_shared>>
        tpu.enqueue_indirect_dma source(%arg10 : memref<80x128xf32, #tpu.memory_space<vmem>>) target(%dma_start3A_18 : memref<10240x128xf32, #tpu.memory_space<vmem_shared>>) offsets(%arg8 : memref<80xi32, #tpu.memory_space<vmem>>) semaphore(%run_scoped3A : memref<!tpu.dma_semaphore, #tpu.memory_space<semaphore_mem>>) {add = true}
        %dma_wait3A = arith.constant 0 : i32
        %dma_wait3A_19 = arith.constant 0 : i32
        %dma_wait3A_20 = tpu.memref_slice %arg12[%dma_wait3A, %dma_wait3A_19] : memref<10240x128xf32, #tpu.memory_space<vmem_shared>> -> memref<10240x128xf32, #tpu.memory_space<vmem_shared>>
        tpu.wait_indirect_dma semaphore(%run_scoped3A : memref<!tpu.dma_semaphore, #tpu.memory_space<semaphore_mem>>) src(%arg10 : memref<80x128xf32, #tpu.memory_space<vmem>>) dst(%dma_wait3A_20 : memref<10240x128xf32, #tpu.memory_space<vmem_shared>>)
        tpu.yield
      }) : () -> ()
      "tpu.region"() ({
        %run_scoped3A = tpu.sem_alloc : memref<!tpu.dma_semaphore, #tpu.memory_space<semaphore_mem>>
        %dma_start3A = arith.constant 0 : i32
        %dma_start3A_17 = arith.constant 0 : i32
        %dma_start3A_18 = tpu.memref_slice %arg12[%dma_start3A, %dma_start3A_17] : memref<10240x128xf32, #tpu.memory_space<vmem_shared>> -> memref<10240x128xf32, #tpu.memory_space<vmem_shared>>
        tpu.enqueue_indirect_dma source(%arg11 : memref<80x128xf32, #tpu.memory_space<vmem>>) target(%dma_start3A_18 : memref<10240x128xf32, #tpu.memory_space<vmem_shared>>) offsets(%arg9 : memref<80xi32, #tpu.memory_space<vmem>>) semaphore(%run_scoped3A : memref<!tpu.dma_semaphore, #tpu.memory_space<semaphore_mem>>) {add = true}
        %dma_wait3A = arith.constant 0 : i32
        %dma_wait3A_19 = arith.constant 0 : i32
        %dma_wait3A_20 = tpu.memref_slice %arg12[%dma_wait3A, %dma_wait3A_19] : memref<10240x128xf32, #tpu.memory_space<vmem_shared>> -> memref<10240x128xf32, #tpu.memory_space<vmem_shared>>
        tpu.wait_indirect_dma semaphore(%run_scoped3A : memref<!tpu.dma_semaphore, #tpu.memory_space<semaphore_mem>>) src(%arg11 : memref<80x128xf32, #tpu.memory_space<vmem>>) dst(%dma_wait3A_20 : memref<10240x128xf32, #tpu.memory_space<vmem_shared>>)
        tpu.yield
      }) : () -> ()
    }
    %scan3A_10 = arith.constant 125 : i32
    %barrier3A_11 = arith.constant 0 : index
    tpu.barrier barrier_id(%barrier3A_11)
    "tpu.region"() ({
      %run_scoped3A = tpu.sem_alloc : memref<!tpu.dma_semaphore, #tpu.memory_space<semaphore_mem>>
      %dma_start3A = arith.constant 0 : i32
      %dma_start3A_12 = tpu.memref_slice %arg7[%arg0, %multiple_of3A, %dma_start3A] : memref<2x10240x128xf32, #tpu.memory_space<hbm>> -> memref<1x640x128xf32, #tpu.memory_space<hbm>>
      %dma_start3A_13 = tpu.memref_squeeze %dma_start3A_12 : memref<1x640x128xf32, #tpu.memory_space<hbm>> -> memref<640x128xf32, #tpu.memory_space<hbm>>
      %dma_start3A_14 = arith.constant 0 : i32
      %dma_start3A_15 = tpu.memref_slice %arg12[%multiple_of3A, %dma_start3A_14] : memref<10240x128xf32, #tpu.memory_space<vmem_shared>> -> memref<640x128xf32, #tpu.memory_space<vmem_shared>>
      tpu.enqueue_dma source(%dma_start3A_15 : memref<640x128xf32, #tpu.memory_space<vmem_shared>>) target(%dma_start3A_13 : memref<640x128xf32, #tpu.memory_space<hbm>>) target_semaphore(%run_scoped3A : memref<!tpu.dma_semaphore, #tpu.memory_space<semaphore_mem>>)
      %dma_wait3A = arith.constant 0 : i32
      %dma_wait3A_16 = tpu.memref_slice %arg7[%arg0, %multiple_of3A, %dma_wait3A] : memref<2x10240x128xf32, #tpu.memory_space<hbm>> -> memref<1x640x128xf32, #tpu.memory_space<hbm>>
      %dma_wait3A_17 = tpu.memref_squeeze %dma_wait3A_16 : memref<1x640x128xf32, #tpu.memory_space<hbm>> -> memref<640x128xf32, #tpu.memory_space<hbm>>
      %dma_wait3A_18 = arith.constant 0 : i32
      %dma_wait3A_19 = tpu.memref_slice %arg12[%multiple_of3A, %dma_wait3A_18] : memref<10240x128xf32, #tpu.memory_space<vmem_shared>> -> memref<640x128xf32, #tpu.memory_space<vmem_shared>>
      tpu.wait_dma2 semaphore(%run_scoped3A : memref<!tpu.dma_semaphore, #tpu.memory_space<semaphore_mem>>) src(%dma_wait3A_19 : memref<640x128xf32, #tpu.memory_space<vmem_shared>>) dst(%dma_wait3A_17 : memref<640x128xf32, #tpu.memory_space<hbm>>)
      tpu.yield
    }) : () -> ()
    return
  }
}

#map = affine_map<(d0, d1) -> (0, 0)>
#map1 = affine_map<(d0, d1) -> (0)>
#map2 = affine_map<(d0, d1) -> (0, 0, 0)>
module attributes {stable_mosaic.version = 14 : i64} {
  func.func @_sc_propagate(%arg0: i32, %arg1: i32, %arg2: memref<10000x128xf32, #tpu.memory_space<hbm>>, %arg3: memref<327680xi32, #tpu.memory_space<hbm>>, %arg4: memref<327680xi32, #tpu.memory_space<hbm>>, %arg5: memref<10240x128xf32, #tpu.memory_space<hbm>>, %arg6: memref<2x10240x128xf32, #tpu.memory_space<hbm>>, %arg7: memref<80xi32, #tpu.memory_space<vmem>>, %arg8: memref<80xi32, #tpu.memory_space<vmem>>, %arg9: memref<80xi32, #tpu.memory_space<vmem>>, %arg10: memref<80xi32, #tpu.memory_space<vmem>>, %arg11: memref<80x128xf32, #tpu.memory_space<vmem>>, %arg12: memref<80x128xf32, #tpu.memory_space<vmem>>, %arg13: memref<!tpu.dma_semaphore, #tpu.memory_space<semaphore_mem>>, %arg14: memref<!tpu.dma_semaphore, #tpu.memory_space<semaphore_mem>>, %arg15: memref<!tpu.dma_semaphore, #tpu.memory_space<semaphore_mem>>, %arg16: memref<!tpu.dma_semaphore, #tpu.memory_space<semaphore_mem>>, %arg17: memref<10240x128xf32, #tpu.memory_space<vmem_shared>>) attributes {dimension_semantics = [#tpu.dimension_semantics<core_parallel>, #tpu.dimension_semantics<subcore_parallel>], iteration_bounds = array<i64: 2, 16>, scalar_prefetch = 0 : i64, scratch_operands = 11 : i64, tpu.core_type = #tpu.core_type<sc_vector_subcore>, window_params = [{transform_indices = #map}, {transform_indices = #map1}, {transform_indices = #map1}, {transform_indices = #map}, {transform_indices = #map2}]} {
    %mul3A = arith.constant 16 : i32
    %mul3A_0 = arith.muli %arg0, %mul3A : i32
    %add3A = arith.addi %mul3A_0, %arg1 : i32
    %mul3A_1 = arith.constant 640 : i32
    %mul3A_2 = arith.muli %arg1, %mul3A_1 : i32
    %multiple_of3A = tpu.assume_multiple %mul3A_2, 8 : i32
    %mul3A_3 = arith.constant 10240 : i32
    %mul3A_4 = arith.muli %add3A, %mul3A_3 : i32
    %multiple_of3A_5 = tpu.assume_multiple %mul3A_4, 8 : i32
    "tpu.region"() ({
      %run_scoped3A = tpu.sem_alloc : memref<!tpu.dma_semaphore, #tpu.memory_space<semaphore_mem>>
      %dma_start3A = arith.constant 0 : i32
      %dma_start3A_12 = tpu.memref_slice %arg17[%multiple_of3A, %dma_start3A] : memref<10240x128xf32, #tpu.memory_space<vmem_shared>> -> memref<640x128xf32, #tpu.memory_space<vmem_shared>>
      %dma_start3A_13 = arith.constant 0 : i32
      %dma_start3A_14 = tpu.memref_slice %arg5[%multiple_of3A, %dma_start3A_13] : memref<10240x128xf32, #tpu.memory_space<hbm>> -> memref<640x128xf32, #tpu.memory_space<hbm>>
      tpu.enqueue_dma source(%dma_start3A_14 : memref<640x128xf32, #tpu.memory_space<hbm>>) target(%dma_start3A_12 : memref<640x128xf32, #tpu.memory_space<vmem_shared>>) target_semaphore(%run_scoped3A : memref<!tpu.dma_semaphore, #tpu.memory_space<semaphore_mem>>)
      %dma_wait3A = arith.constant 0 : i32
      %dma_wait3A_15 = tpu.memref_slice %arg17[%multiple_of3A, %dma_wait3A] : memref<10240x128xf32, #tpu.memory_space<vmem_shared>> -> memref<640x128xf32, #tpu.memory_space<vmem_shared>>
      %dma_wait3A_16 = arith.constant 0 : i32
      %dma_wait3A_17 = tpu.memref_slice %arg5[%multiple_of3A, %dma_wait3A_16] : memref<10240x128xf32, #tpu.memory_space<hbm>> -> memref<640x128xf32, #tpu.memory_space<hbm>>
      tpu.wait_dma2 semaphore(%run_scoped3A : memref<!tpu.dma_semaphore, #tpu.memory_space<semaphore_mem>>) src(%dma_wait3A_17 : memref<640x128xf32, #tpu.memory_space<hbm>>) dst(%dma_wait3A_15 : memref<640x128xf32, #tpu.memory_space<vmem_shared>>)
      tpu.yield
    }) : () -> ()
    %barrier3A = arith.constant 0 : index
    tpu.barrier barrier_id(%barrier3A)
    %scan3A = arith.constant 0 : i32
    %scan3A_6 = arith.constant 0 : i32
    %scan3A_7 = arith.constant 64 : i32
    %scan3A_8 = arith.addi %scan3A_6, %scan3A_7 : i32
    %scan3A_9 = arith.constant 1 : i32
    scf.for %scan3A_12 = %scan3A_6 to %scan3A_8 step %scan3A_9  : i32 {
      %mul3A_13 = arith.constant 2 : i32
      %mul3A_14 = arith.muli %mul3A_13, %scan3A_12 : i32
      %mul3A_15 = arith.constant 80 : i32
      %mul3A_16 = arith.muli %mul3A_14, %mul3A_15 : i32
      %add3A_17 = arith.addi %multiple_of3A_5, %mul3A_16 : i32
      %multiple_of3A_18 = tpu.assume_multiple %add3A_17, 8 : i32
      %mul3A_19 = arith.constant 2 : i32
      %mul3A_20 = arith.muli %mul3A_19, %scan3A_12 : i32
      %add3A_21 = arith.constant 1 : i32
      %add3A_22 = arith.addi %mul3A_20, %add3A_21 : i32
      %mul3A_23 = arith.constant 80 : i32
      %mul3A_24 = arith.muli %add3A_22, %mul3A_23 : i32
      %add3A_25 = arith.addi %multiple_of3A_5, %mul3A_24 : i32
      %multiple_of3A_26 = tpu.assume_multiple %add3A_25, 8 : i32
      "tpu.region"() ({
        %run_scoped3A = tpu.sem_alloc : memref<!tpu.dma_semaphore, #tpu.memory_space<semaphore_mem>>
        %dma_start3A_37 = tpu.memref_slice %arg3[%multiple_of3A_18] : memref<327680xi32, #tpu.memory_space<hbm>> -> memref<80xi32, #tpu.memory_space<hbm>>
        %dma_start3A_38 = tpu.memref_slice %arg3[%multiple_of3A_18] : memref<327680xi32, #tpu.memory_space<hbm>> -> memref<80xi32, #tpu.memory_space<hbm>>
        tpu.enqueue_dma source(%dma_start3A_38 : memref<80xi32, #tpu.memory_space<hbm>>) target(%arg7 : memref<80xi32, #tpu.memory_space<vmem>>) target_semaphore(%run_scoped3A : memref<!tpu.dma_semaphore, #tpu.memory_space<semaphore_mem>>)
        %dma_wait3A_39 = tpu.memref_slice %arg3[%multiple_of3A_18] : memref<327680xi32, #tpu.memory_space<hbm>> -> memref<80xi32, #tpu.memory_space<hbm>>
        %dma_wait3A_40 = tpu.memref_slice %arg3[%multiple_of3A_18] : memref<327680xi32, #tpu.memory_space<hbm>> -> memref<80xi32, #tpu.memory_space<hbm>>
        tpu.wait_dma2 semaphore(%run_scoped3A : memref<!tpu.dma_semaphore, #tpu.memory_space<semaphore_mem>>) src(%dma_wait3A_40 : memref<80xi32, #tpu.memory_space<hbm>>) dst(%arg7 : memref<80xi32, #tpu.memory_space<vmem>>)
        tpu.yield
      }) : () -> ()
      "tpu.region"() ({
        %run_scoped3A = tpu.sem_alloc : memref<!tpu.dma_semaphore, #tpu.memory_space<semaphore_mem>>
        %dma_start3A_37 = tpu.memref_slice %arg4[%multiple_of3A_18] : memref<327680xi32, #tpu.memory_space<hbm>> -> memref<80xi32, #tpu.memory_space<hbm>>
        %dma_start3A_38 = tpu.memref_slice %arg4[%multiple_of3A_18] : memref<327680xi32, #tpu.memory_space<hbm>> -> memref<80xi32, #tpu.memory_space<hbm>>
        tpu.enqueue_dma source(%dma_start3A_38 : memref<80xi32, #tpu.memory_space<hbm>>) target(%arg8 : memref<80xi32, #tpu.memory_space<vmem>>) target_semaphore(%run_scoped3A : memref<!tpu.dma_semaphore, #tpu.memory_space<semaphore_mem>>)
        %dma_wait3A_39 = tpu.memref_slice %arg4[%multiple_of3A_18] : memref<327680xi32, #tpu.memory_space<hbm>> -> memref<80xi32, #tpu.memory_space<hbm>>
        %dma_wait3A_40 = tpu.memref_slice %arg4[%multiple_of3A_18] : memref<327680xi32, #tpu.memory_space<hbm>> -> memref<80xi32, #tpu.memory_space<hbm>>
        tpu.wait_dma2 semaphore(%run_scoped3A : memref<!tpu.dma_semaphore, #tpu.memory_space<semaphore_mem>>) src(%dma_wait3A_40 : memref<80xi32, #tpu.memory_space<hbm>>) dst(%arg8 : memref<80xi32, #tpu.memory_space<vmem>>)
        tpu.yield
      }) : () -> ()
      %dma_start3A = arith.constant 0 : i32
      %dma_start3A_27 = arith.constant 0 : i32
      %dma_start3A_28 = tpu.memref_slice %arg2[%dma_start3A, %dma_start3A_27] : memref<10000x128xf32, #tpu.memory_space<hbm>> -> memref<10000x128xf32, #tpu.memory_space<hbm>>
      tpu.enqueue_indirect_dma source(%dma_start3A_28 : memref<10000x128xf32, #tpu.memory_space<hbm>>) target(%arg11 : memref<80x128xf32, #tpu.memory_space<vmem>>) offsets(%arg7 : memref<80xi32, #tpu.memory_space<vmem>>) semaphore(%arg13 : memref<!tpu.dma_semaphore, #tpu.memory_space<semaphore_mem>>)
      "tpu.region"() ({
        %run_scoped3A = tpu.sem_alloc : memref<!tpu.dma_semaphore, #tpu.memory_space<semaphore_mem>>
        %dma_start3A_37 = tpu.memref_slice %arg3[%multiple_of3A_26] : memref<327680xi32, #tpu.memory_space<hbm>> -> memref<80xi32, #tpu.memory_space<hbm>>
        %dma_start3A_38 = tpu.memref_slice %arg3[%multiple_of3A_26] : memref<327680xi32, #tpu.memory_space<hbm>> -> memref<80xi32, #tpu.memory_space<hbm>>
        tpu.enqueue_dma source(%dma_start3A_38 : memref<80xi32, #tpu.memory_space<hbm>>) target(%arg9 : memref<80xi32, #tpu.memory_space<vmem>>) target_semaphore(%run_scoped3A : memref<!tpu.dma_semaphore, #tpu.memory_space<semaphore_mem>>)
        %dma_wait3A_39 = tpu.memref_slice %arg3[%multiple_of3A_26] : memref<327680xi32, #tpu.memory_space<hbm>> -> memref<80xi32, #tpu.memory_space<hbm>>
        %dma_wait3A_40 = tpu.memref_slice %arg3[%multiple_of3A_26] : memref<327680xi32, #tpu.memory_space<hbm>> -> memref<80xi32, #tpu.memory_space<hbm>>
        tpu.wait_dma2 semaphore(%run_scoped3A : memref<!tpu.dma_semaphore, #tpu.memory_space<semaphore_mem>>) src(%dma_wait3A_40 : memref<80xi32, #tpu.memory_space<hbm>>) dst(%arg9 : memref<80xi32, #tpu.memory_space<vmem>>)
        tpu.yield
      }) : () -> ()
      "tpu.region"() ({
        %run_scoped3A = tpu.sem_alloc : memref<!tpu.dma_semaphore, #tpu.memory_space<semaphore_mem>>
        %dma_start3A_37 = tpu.memref_slice %arg4[%multiple_of3A_26] : memref<327680xi32, #tpu.memory_space<hbm>> -> memref<80xi32, #tpu.memory_space<hbm>>
        %dma_start3A_38 = tpu.memref_slice %arg4[%multiple_of3A_26] : memref<327680xi32, #tpu.memory_space<hbm>> -> memref<80xi32, #tpu.memory_space<hbm>>
        tpu.enqueue_dma source(%dma_start3A_38 : memref<80xi32, #tpu.memory_space<hbm>>) target(%arg10 : memref<80xi32, #tpu.memory_space<vmem>>) target_semaphore(%run_scoped3A : memref<!tpu.dma_semaphore, #tpu.memory_space<semaphore_mem>>)
        %dma_wait3A_39 = tpu.memref_slice %arg4[%multiple_of3A_26] : memref<327680xi32, #tpu.memory_space<hbm>> -> memref<80xi32, #tpu.memory_space<hbm>>
        %dma_wait3A_40 = tpu.memref_slice %arg4[%multiple_of3A_26] : memref<327680xi32, #tpu.memory_space<hbm>> -> memref<80xi32, #tpu.memory_space<hbm>>
        tpu.wait_dma2 semaphore(%run_scoped3A : memref<!tpu.dma_semaphore, #tpu.memory_space<semaphore_mem>>) src(%dma_wait3A_40 : memref<80xi32, #tpu.memory_space<hbm>>) dst(%arg10 : memref<80xi32, #tpu.memory_space<vmem>>)
        tpu.yield
      }) : () -> ()
      %dma_start3A_29 = arith.constant 0 : i32
      %dma_start3A_30 = arith.constant 0 : i32
      %dma_start3A_31 = tpu.memref_slice %arg2[%dma_start3A_29, %dma_start3A_30] : memref<10000x128xf32, #tpu.memory_space<hbm>> -> memref<10000x128xf32, #tpu.memory_space<hbm>>
      tpu.enqueue_indirect_dma source(%dma_start3A_31 : memref<10000x128xf32, #tpu.memory_space<hbm>>) target(%arg12 : memref<80x128xf32, #tpu.memory_space<vmem>>) offsets(%arg9 : memref<80xi32, #tpu.memory_space<vmem>>) semaphore(%arg14 : memref<!tpu.dma_semaphore, #tpu.memory_space<semaphore_mem>>)
      %dma_wait3A = arith.constant 0 : i32
      %dma_wait3A_32 = arith.constant 0 : i32
      %dma_wait3A_33 = tpu.memref_slice %arg2[%dma_wait3A, %dma_wait3A_32] : memref<10000x128xf32, #tpu.memory_space<hbm>> -> memref<10000x128xf32, #tpu.memory_space<hbm>>
      tpu.wait_indirect_dma semaphore(%arg13 : memref<!tpu.dma_semaphore, #tpu.memory_space<semaphore_mem>>) src(%dma_wait3A_33 : memref<10000x128xf32, #tpu.memory_space<hbm>>) dst(%arg11 : memref<80x128xf32, #tpu.memory_space<vmem>>)
      "tpu.region"() ({
        %run_scoped3A = tpu.sem_alloc : memref<!tpu.dma_semaphore, #tpu.memory_space<semaphore_mem>>
        %dma_start3A_37 = arith.constant 0 : i32
        %dma_start3A_38 = arith.constant 0 : i32
        %dma_start3A_39 = tpu.memref_slice %arg17[%dma_start3A_37, %dma_start3A_38] : memref<10240x128xf32, #tpu.memory_space<vmem_shared>> -> memref<10240x128xf32, #tpu.memory_space<vmem_shared>>
        tpu.enqueue_indirect_dma source(%arg11 : memref<80x128xf32, #tpu.memory_space<vmem>>) target(%dma_start3A_39 : memref<10240x128xf32, #tpu.memory_space<vmem_shared>>) offsets(%arg8 : memref<80xi32, #tpu.memory_space<vmem>>) semaphore(%run_scoped3A : memref<!tpu.dma_semaphore, #tpu.memory_space<semaphore_mem>>) {add = true}
        %dma_wait3A_40 = arith.constant 0 : i32
        %dma_wait3A_41 = arith.constant 0 : i32
        %dma_wait3A_42 = tpu.memref_slice %arg17[%dma_wait3A_40, %dma_wait3A_41] : memref<10240x128xf32, #tpu.memory_space<vmem_shared>> -> memref<10240x128xf32, #tpu.memory_space<vmem_shared>>
        tpu.wait_indirect_dma semaphore(%run_scoped3A : memref<!tpu.dma_semaphore, #tpu.memory_space<semaphore_mem>>) src(%arg11 : memref<80x128xf32, #tpu.memory_space<vmem>>) dst(%dma_wait3A_42 : memref<10240x128xf32, #tpu.memory_space<vmem_shared>>)
        tpu.yield
      }) : () -> ()
      %dma_wait3A_34 = arith.constant 0 : i32
      %dma_wait3A_35 = arith.constant 0 : i32
      %dma_wait3A_36 = tpu.memref_slice %arg2[%dma_wait3A_34, %dma_wait3A_35] : memref<10000x128xf32, #tpu.memory_space<hbm>> -> memref<10000x128xf32, #tpu.memory_space<hbm>>
      tpu.wait_indirect_dma semaphore(%arg14 : memref<!tpu.dma_semaphore, #tpu.memory_space<semaphore_mem>>) src(%dma_wait3A_36 : memref<10000x128xf32, #tpu.memory_space<hbm>>) dst(%arg12 : memref<80x128xf32, #tpu.memory_space<vmem>>)
      "tpu.region"() ({
        %run_scoped3A = tpu.sem_alloc : memref<!tpu.dma_semaphore, #tpu.memory_space<semaphore_mem>>
        %dma_start3A_37 = arith.constant 0 : i32
        %dma_start3A_38 = arith.constant 0 : i32
        %dma_start3A_39 = tpu.memref_slice %arg17[%dma_start3A_37, %dma_start3A_38] : memref<10240x128xf32, #tpu.memory_space<vmem_shared>> -> memref<10240x128xf32, #tpu.memory_space<vmem_shared>>
        tpu.enqueue_indirect_dma source(%arg12 : memref<80x128xf32, #tpu.memory_space<vmem>>) target(%dma_start3A_39 : memref<10240x128xf32, #tpu.memory_space<vmem_shared>>) offsets(%arg10 : memref<80xi32, #tpu.memory_space<vmem>>) semaphore(%run_scoped3A : memref<!tpu.dma_semaphore, #tpu.memory_space<semaphore_mem>>) {add = true}
        %dma_wait3A_40 = arith.constant 0 : i32
        %dma_wait3A_41 = arith.constant 0 : i32
        %dma_wait3A_42 = tpu.memref_slice %arg17[%dma_wait3A_40, %dma_wait3A_41] : memref<10240x128xf32, #tpu.memory_space<vmem_shared>> -> memref<10240x128xf32, #tpu.memory_space<vmem_shared>>
        tpu.wait_indirect_dma semaphore(%run_scoped3A : memref<!tpu.dma_semaphore, #tpu.memory_space<semaphore_mem>>) src(%arg12 : memref<80x128xf32, #tpu.memory_space<vmem>>) dst(%dma_wait3A_42 : memref<10240x128xf32, #tpu.memory_space<vmem_shared>>)
        tpu.yield
      }) : () -> ()
    }
    %scan3A_10 = arith.constant 64 : i32
    %barrier3A_11 = arith.constant 0 : index
    tpu.barrier barrier_id(%barrier3A_11)
    "tpu.region"() ({
      %run_scoped3A = tpu.sem_alloc : memref<!tpu.dma_semaphore, #tpu.memory_space<semaphore_mem>>
      %dma_start3A = arith.constant 0 : i32
      %dma_start3A_12 = tpu.memref_slice %arg6[%arg0, %multiple_of3A, %dma_start3A] : memref<2x10240x128xf32, #tpu.memory_space<hbm>> -> memref<1x640x128xf32, #tpu.memory_space<hbm>>
      %dma_start3A_13 = tpu.memref_squeeze %dma_start3A_12 : memref<1x640x128xf32, #tpu.memory_space<hbm>> -> memref<640x128xf32, #tpu.memory_space<hbm>>
      %dma_start3A_14 = arith.constant 0 : i32
      %dma_start3A_15 = tpu.memref_slice %arg17[%multiple_of3A, %dma_start3A_14] : memref<10240x128xf32, #tpu.memory_space<vmem_shared>> -> memref<640x128xf32, #tpu.memory_space<vmem_shared>>
      tpu.enqueue_dma source(%dma_start3A_15 : memref<640x128xf32, #tpu.memory_space<vmem_shared>>) target(%dma_start3A_13 : memref<640x128xf32, #tpu.memory_space<hbm>>) target_semaphore(%run_scoped3A : memref<!tpu.dma_semaphore, #tpu.memory_space<semaphore_mem>>)
      %dma_wait3A = arith.constant 0 : i32
      %dma_wait3A_16 = tpu.memref_slice %arg6[%arg0, %multiple_of3A, %dma_wait3A] : memref<2x10240x128xf32, #tpu.memory_space<hbm>> -> memref<1x640x128xf32, #tpu.memory_space<hbm>>
      %dma_wait3A_17 = tpu.memref_squeeze %dma_wait3A_16 : memref<1x640x128xf32, #tpu.memory_space<hbm>> -> memref<640x128xf32, #tpu.memory_space<hbm>>
      %dma_wait3A_18 = arith.constant 0 : i32
      %dma_wait3A_19 = tpu.memref_slice %arg17[%multiple_of3A, %dma_wait3A_18] : memref<10240x128xf32, #tpu.memory_space<vmem_shared>> -> memref<640x128xf32, #tpu.memory_space<vmem_shared>>
      tpu.wait_dma2 semaphore(%run_scoped3A : memref<!tpu.dma_semaphore, #tpu.memory_space<semaphore_mem>>) src(%dma_wait3A_19 : memref<640x128xf32, #tpu.memory_space<vmem_shared>>) dst(%dma_wait3A_17 : memref<640x128xf32, #tpu.memory_space<hbm>>)
      tpu.yield
    }) : () -> ()
    return
  }
}

#map = affine_map<(d0, d1) -> (0, 0)>
#map1 = affine_map<(d0, d1) -> (0)>
#map2 = affine_map<(d0, d1) -> (0, 0, 0)>
module attributes {stable_mosaic.version = 14 : i64} {
  func.func @_sc_propagate(%arg0: i32, %arg1: i32, %arg2: memref<10000x128xf32, #tpu.memory_space<hbm>>, %arg3: memref<327680xi32, #tpu.memory_space<hbm>>, %arg4: memref<327680xi32, #tpu.memory_space<hbm>>, %arg5: memref<10240x128xf32, #tpu.memory_space<hbm>>, %arg6: memref<2x10240x128xf32, #tpu.memory_space<hbm>>, %arg7: memref<80xi32, #tpu.memory_space<vmem>>, %arg8: memref<80xi32, #tpu.memory_space<vmem>>, %arg9: memref<80xi32, #tpu.memory_space<vmem>>, %arg10: memref<80xi32, #tpu.memory_space<vmem>>, %arg11: memref<80x128xf32, #tpu.memory_space<vmem>>, %arg12: memref<80x128xf32, #tpu.memory_space<vmem>>, %arg13: memref<!tpu.dma_semaphore, #tpu.memory_space<semaphore_mem>>, %arg14: memref<!tpu.dma_semaphore, #tpu.memory_space<semaphore_mem>>, %arg15: memref<!tpu.dma_semaphore, #tpu.memory_space<semaphore_mem>>, %arg16: memref<!tpu.dma_semaphore, #tpu.memory_space<semaphore_mem>>, %arg17: memref<10240x128xf32, #tpu.memory_space<vmem_shared>>) attributes {dimension_semantics = [#tpu.dimension_semantics<core_parallel>, #tpu.dimension_semantics<subcore_parallel>], iteration_bounds = array<i64: 2, 16>, scalar_prefetch = 0 : i64, scratch_operands = 11 : i64, tpu.core_type = #tpu.core_type<sc_vector_subcore>, window_params = [{transform_indices = #map}, {transform_indices = #map1}, {transform_indices = #map1}, {transform_indices = #map}, {transform_indices = #map2}]} {
    %mul3A = arith.constant 16 : i32
    %mul3A_0 = arith.muli %arg0, %mul3A : i32
    %add3A = arith.addi %mul3A_0, %arg1 : i32
    %mul3A_1 = arith.constant 640 : i32
    %mul3A_2 = arith.muli %arg1, %mul3A_1 : i32
    %multiple_of3A = tpu.assume_multiple %mul3A_2, 8 : i32
    %mul3A_3 = arith.constant 10240 : i32
    %mul3A_4 = arith.muli %add3A, %mul3A_3 : i32
    %multiple_of3A_5 = tpu.assume_multiple %mul3A_4, 8 : i32
    "tpu.region"() ({
      %run_scoped3A = tpu.sem_alloc : memref<!tpu.dma_semaphore, #tpu.memory_space<semaphore_mem>>
      %dma_start3A = arith.constant 0 : i32
      %dma_start3A_12 = tpu.memref_slice %arg17[%multiple_of3A, %dma_start3A] : memref<10240x128xf32, #tpu.memory_space<vmem_shared>> -> memref<640x128xf32, #tpu.memory_space<vmem_shared>>
      %dma_start3A_13 = arith.constant 0 : i32
      %dma_start3A_14 = tpu.memref_slice %arg5[%multiple_of3A, %dma_start3A_13] : memref<10240x128xf32, #tpu.memory_space<hbm>> -> memref<640x128xf32, #tpu.memory_space<hbm>>
      tpu.enqueue_dma source(%dma_start3A_14 : memref<640x128xf32, #tpu.memory_space<hbm>>) target(%dma_start3A_12 : memref<640x128xf32, #tpu.memory_space<vmem_shared>>) target_semaphore(%run_scoped3A : memref<!tpu.dma_semaphore, #tpu.memory_space<semaphore_mem>>)
      %dma_wait3A = arith.constant 0 : i32
      %dma_wait3A_15 = tpu.memref_slice %arg17[%multiple_of3A, %dma_wait3A] : memref<10240x128xf32, #tpu.memory_space<vmem_shared>> -> memref<640x128xf32, #tpu.memory_space<vmem_shared>>
      %dma_wait3A_16 = arith.constant 0 : i32
      %dma_wait3A_17 = tpu.memref_slice %arg5[%multiple_of3A, %dma_wait3A_16] : memref<10240x128xf32, #tpu.memory_space<hbm>> -> memref<640x128xf32, #tpu.memory_space<hbm>>
      tpu.wait_dma2 semaphore(%run_scoped3A : memref<!tpu.dma_semaphore, #tpu.memory_space<semaphore_mem>>) src(%dma_wait3A_17 : memref<640x128xf32, #tpu.memory_space<hbm>>) dst(%dma_wait3A_15 : memref<640x128xf32, #tpu.memory_space<vmem_shared>>)
      tpu.yield
    }) : () -> ()
    %barrier3A = arith.constant 0 : index
    tpu.barrier barrier_id(%barrier3A)
    %scan3A = arith.constant 0 : i32
    %scan3A_6 = arith.constant 0 : i32
    %scan3A_7 = arith.constant 64 : i32
    %scan3A_8 = arith.addi %scan3A_6, %scan3A_7 : i32
    %scan3A_9 = arith.constant 1 : i32
    scf.for %scan3A_12 = %scan3A_6 to %scan3A_8 step %scan3A_9  : i32 {
      %mul3A_13 = arith.constant 2 : i32
      %mul3A_14 = arith.muli %mul3A_13, %scan3A_12 : i32
      %mul3A_15 = arith.constant 80 : i32
      %mul3A_16 = arith.muli %mul3A_14, %mul3A_15 : i32
      %add3A_17 = arith.addi %multiple_of3A_5, %mul3A_16 : i32
      %multiple_of3A_18 = tpu.assume_multiple %add3A_17, 8 : i32
      %mul3A_19 = arith.constant 2 : i32
      %mul3A_20 = arith.muli %mul3A_19, %scan3A_12 : i32
      %add3A_21 = arith.constant 1 : i32
      %add3A_22 = arith.addi %mul3A_20, %add3A_21 : i32
      %mul3A_23 = arith.constant 80 : i32
      %mul3A_24 = arith.muli %add3A_22, %mul3A_23 : i32
      %add3A_25 = arith.addi %multiple_of3A_5, %mul3A_24 : i32
      %multiple_of3A_26 = tpu.assume_multiple %add3A_25, 8 : i32
      "tpu.region"() ({
        %run_scoped3A = tpu.sem_alloc : memref<!tpu.dma_semaphore, #tpu.memory_space<semaphore_mem>>
        %dma_start3A_37 = tpu.memref_slice %arg3[%multiple_of3A_18] : memref<327680xi32, #tpu.memory_space<hbm>> -> memref<80xi32, #tpu.memory_space<hbm>>
        %dma_start3A_38 = tpu.memref_slice %arg3[%multiple_of3A_18] : memref<327680xi32, #tpu.memory_space<hbm>> -> memref<80xi32, #tpu.memory_space<hbm>>
        tpu.enqueue_dma source(%dma_start3A_38 : memref<80xi32, #tpu.memory_space<hbm>>) target(%arg7 : memref<80xi32, #tpu.memory_space<vmem>>) target_semaphore(%run_scoped3A : memref<!tpu.dma_semaphore, #tpu.memory_space<semaphore_mem>>)
        %dma_wait3A_39 = tpu.memref_slice %arg3[%multiple_of3A_18] : memref<327680xi32, #tpu.memory_space<hbm>> -> memref<80xi32, #tpu.memory_space<hbm>>
        %dma_wait3A_40 = tpu.memref_slice %arg3[%multiple_of3A_18] : memref<327680xi32, #tpu.memory_space<hbm>> -> memref<80xi32, #tpu.memory_space<hbm>>
        tpu.wait_dma2 semaphore(%run_scoped3A : memref<!tpu.dma_semaphore, #tpu.memory_space<semaphore_mem>>) src(%dma_wait3A_40 : memref<80xi32, #tpu.memory_space<hbm>>) dst(%arg7 : memref<80xi32, #tpu.memory_space<vmem>>)
        tpu.yield
      }) : () -> ()
      "tpu.region"() ({
        %run_scoped3A = tpu.sem_alloc : memref<!tpu.dma_semaphore, #tpu.memory_space<semaphore_mem>>
        %dma_start3A_37 = tpu.memref_slice %arg4[%multiple_of3A_18] : memref<327680xi32, #tpu.memory_space<hbm>> -> memref<80xi32, #tpu.memory_space<hbm>>
        %dma_start3A_38 = tpu.memref_slice %arg4[%multiple_of3A_18] : memref<327680xi32, #tpu.memory_space<hbm>> -> memref<80xi32, #tpu.memory_space<hbm>>
        tpu.enqueue_dma source(%dma_start3A_38 : memref<80xi32, #tpu.memory_space<hbm>>) target(%arg8 : memref<80xi32, #tpu.memory_space<vmem>>) target_semaphore(%run_scoped3A : memref<!tpu.dma_semaphore, #tpu.memory_space<semaphore_mem>>)
        %dma_wait3A_39 = tpu.memref_slice %arg4[%multiple_of3A_18] : memref<327680xi32, #tpu.memory_space<hbm>> -> memref<80xi32, #tpu.memory_space<hbm>>
        %dma_wait3A_40 = tpu.memref_slice %arg4[%multiple_of3A_18] : memref<327680xi32, #tpu.memory_space<hbm>> -> memref<80xi32, #tpu.memory_space<hbm>>
        tpu.wait_dma2 semaphore(%run_scoped3A : memref<!tpu.dma_semaphore, #tpu.memory_space<semaphore_mem>>) src(%dma_wait3A_40 : memref<80xi32, #tpu.memory_space<hbm>>) dst(%arg8 : memref<80xi32, #tpu.memory_space<vmem>>)
        tpu.yield
      }) : () -> ()
      %dma_start3A = arith.constant 0 : i32
      %dma_start3A_27 = arith.constant 0 : i32
      %dma_start3A_28 = tpu.memref_slice %arg2[%dma_start3A, %dma_start3A_27] : memref<10000x128xf32, #tpu.memory_space<hbm>> -> memref<10000x128xf32, #tpu.memory_space<hbm>>
      tpu.enqueue_indirect_dma source(%dma_start3A_28 : memref<10000x128xf32, #tpu.memory_space<hbm>>) target(%arg11 : memref<80x128xf32, #tpu.memory_space<vmem>>) offsets(%arg7 : memref<80xi32, #tpu.memory_space<vmem>>) semaphore(%arg13 : memref<!tpu.dma_semaphore, #tpu.memory_space<semaphore_mem>>)
      "tpu.region"() ({
        %run_scoped3A = tpu.sem_alloc : memref<!tpu.dma_semaphore, #tpu.memory_space<semaphore_mem>>
        %dma_start3A_37 = tpu.memref_slice %arg3[%multiple_of3A_26] : memref<327680xi32, #tpu.memory_space<hbm>> -> memref<80xi32, #tpu.memory_space<hbm>>
        %dma_start3A_38 = tpu.memref_slice %arg3[%multiple_of3A_26] : memref<327680xi32, #tpu.memory_space<hbm>> -> memref<80xi32, #tpu.memory_space<hbm>>
        tpu.enqueue_dma source(%dma_start3A_38 : memref<80xi32, #tpu.memory_space<hbm>>) target(%arg9 : memref<80xi32, #tpu.memory_space<vmem>>) target_semaphore(%run_scoped3A : memref<!tpu.dma_semaphore, #tpu.memory_space<semaphore_mem>>)
        %dma_wait3A_39 = tpu.memref_slice %arg3[%multiple_of3A_26] : memref<327680xi32, #tpu.memory_space<hbm>> -> memref<80xi32, #tpu.memory_space<hbm>>
        %dma_wait3A_40 = tpu.memref_slice %arg3[%multiple_of3A_26] : memref<327680xi32, #tpu.memory_space<hbm>> -> memref<80xi32, #tpu.memory_space<hbm>>
        tpu.wait_dma2 semaphore(%run_scoped3A : memref<!tpu.dma_semaphore, #tpu.memory_space<semaphore_mem>>) src(%dma_wait3A_40 : memref<80xi32, #tpu.memory_space<hbm>>) dst(%arg9 : memref<80xi32, #tpu.memory_space<vmem>>)
        tpu.yield
      }) : () -> ()
      "tpu.region"() ({
        %run_scoped3A = tpu.sem_alloc : memref<!tpu.dma_semaphore, #tpu.memory_space<semaphore_mem>>
        %dma_start3A_37 = tpu.memref_slice %arg4[%multiple_of3A_26] : memref<327680xi32, #tpu.memory_space<hbm>> -> memref<80xi32, #tpu.memory_space<hbm>>
        %dma_start3A_38 = tpu.memref_slice %arg4[%multiple_of3A_26] : memref<327680xi32, #tpu.memory_space<hbm>> -> memref<80xi32, #tpu.memory_space<hbm>>
        tpu.enqueue_dma source(%dma_start3A_38 : memref<80xi32, #tpu.memory_space<hbm>>) target(%arg10 : memref<80xi32, #tpu.memory_space<vmem>>) target_semaphore(%run_scoped3A : memref<!tpu.dma_semaphore, #tpu.memory_space<semaphore_mem>>)
        %dma_wait3A_39 = tpu.memref_slice %arg4[%multiple_of3A_26] : memref<327680xi32, #tpu.memory_space<hbm>> -> memref<80xi32, #tpu.memory_space<hbm>>
        %dma_wait3A_40 = tpu.memref_slice %arg4[%multiple_of3A_26] : memref<327680xi32, #tpu.memory_space<hbm>> -> memref<80xi32, #tpu.memory_space<hbm>>
        tpu.wait_dma2 semaphore(%run_scoped3A : memref<!tpu.dma_semaphore, #tpu.memory_space<semaphore_mem>>) src(%dma_wait3A_40 : memref<80xi32, #tpu.memory_space<hbm>>) dst(%arg10 : memref<80xi32, #tpu.memory_space<vmem>>)
        tpu.yield
      }) : () -> ()
      %dma_start3A_29 = arith.constant 0 : i32
      %dma_start3A_30 = arith.constant 0 : i32
      %dma_start3A_31 = tpu.memref_slice %arg2[%dma_start3A_29, %dma_start3A_30] : memref<10000x128xf32, #tpu.memory_space<hbm>> -> memref<10000x128xf32, #tpu.memory_space<hbm>>
      tpu.enqueue_indirect_dma source(%dma_start3A_31 : memref<10000x128xf32, #tpu.memory_space<hbm>>) target(%arg12 : memref<80x128xf32, #tpu.memory_space<vmem>>) offsets(%arg9 : memref<80xi32, #tpu.memory_space<vmem>>) semaphore(%arg14 : memref<!tpu.dma_semaphore, #tpu.memory_space<semaphore_mem>>)
      %dma_wait3A = arith.constant 0 : i32
      %dma_wait3A_32 = arith.constant 0 : i32
      %dma_wait3A_33 = tpu.memref_slice %arg2[%dma_wait3A, %dma_wait3A_32] : memref<10000x128xf32, #tpu.memory_space<hbm>> -> memref<10000x128xf32, #tpu.memory_space<hbm>>
      tpu.wait_indirect_dma semaphore(%arg13 : memref<!tpu.dma_semaphore, #tpu.memory_space<semaphore_mem>>) src(%dma_wait3A_33 : memref<10000x128xf32, #tpu.memory_space<hbm>>) dst(%arg11 : memref<80x128xf32, #tpu.memory_space<vmem>>)
      "tpu.region"() ({
        %run_scoped3A = tpu.sem_alloc : memref<!tpu.dma_semaphore, #tpu.memory_space<semaphore_mem>>
        %dma_start3A_37 = arith.constant 0 : i32
        %dma_start3A_38 = arith.constant 0 : i32
        %dma_start3A_39 = tpu.memref_slice %arg17[%dma_start3A_37, %dma_start3A_38] : memref<10240x128xf32, #tpu.memory_space<vmem_shared>> -> memref<10240x128xf32, #tpu.memory_space<vmem_shared>>
        tpu.enqueue_indirect_dma source(%arg11 : memref<80x128xf32, #tpu.memory_space<vmem>>) target(%dma_start3A_39 : memref<10240x128xf32, #tpu.memory_space<vmem_shared>>) offsets(%arg8 : memref<80xi32, #tpu.memory_space<vmem>>) semaphore(%run_scoped3A : memref<!tpu.dma_semaphore, #tpu.memory_space<semaphore_mem>>) {add = true}
        %dma_wait3A_40 = arith.constant 0 : i32
        %dma_wait3A_41 = arith.constant 0 : i32
        %dma_wait3A_42 = tpu.memref_slice %arg17[%dma_wait3A_40, %dma_wait3A_41] : memref<10240x128xf32, #tpu.memory_space<vmem_shared>> -> memref<10240x128xf32, #tpu.memory_space<vmem_shared>>
        tpu.wait_indirect_dma semaphore(%run_scoped3A : memref<!tpu.dma_semaphore, #tpu.memory_space<semaphore_mem>>) src(%arg11 : memref<80x128xf32, #tpu.memory_space<vmem>>) dst(%dma_wait3A_42 : memref<10240x128xf32, #tpu.memory_space<vmem_shared>>)
        tpu.yield
      }) : () -> ()
      %dma_wait3A_34 = arith.constant 0 : i32
      %dma_wait3A_35 = arith.constant 0 : i32
      %dma_wait3A_36 = tpu.memref_slice %arg2[%dma_wait3A_34, %dma_wait3A_35] : memref<10000x128xf32, #tpu.memory_space<hbm>> -> memref<10000x128xf32, #tpu.memory_space<hbm>>
      tpu.wait_indirect_dma semaphore(%arg14 : memref<!tpu.dma_semaphore, #tpu.memory_space<semaphore_mem>>) src(%dma_wait3A_36 : memref<10000x128xf32, #tpu.memory_space<hbm>>) dst(%arg12 : memref<80x128xf32, #tpu.memory_space<vmem>>)
      "tpu.region"() ({
        %run_scoped3A = tpu.sem_alloc : memref<!tpu.dma_semaphore, #tpu.memory_space<semaphore_mem>>
        %dma_start3A_37 = arith.constant 0 : i32
        %dma_start3A_38 = arith.constant 0 : i32
        %dma_start3A_39 = tpu.memref_slice %arg17[%dma_start3A_37, %dma_start3A_38] : memref<10240x128xf32, #tpu.memory_space<vmem_shared>> -> memref<10240x128xf32, #tpu.memory_space<vmem_shared>>
        tpu.enqueue_indirect_dma source(%arg12 : memref<80x128xf32, #tpu.memory_space<vmem>>) target(%dma_start3A_39 : memref<10240x128xf32, #tpu.memory_space<vmem_shared>>) offsets(%arg10 : memref<80xi32, #tpu.memory_space<vmem>>) semaphore(%run_scoped3A : memref<!tpu.dma_semaphore, #tpu.memory_space<semaphore_mem>>) {add = true}
        %dma_wait3A_40 = arith.constant 0 : i32
        %dma_wait3A_41 = arith.constant 0 : i32
        %dma_wait3A_42 = tpu.memref_slice %arg17[%dma_wait3A_40, %dma_wait3A_41] : memref<10240x128xf32, #tpu.memory_space<vmem_shared>> -> memref<10240x128xf32, #tpu.memory_space<vmem_shared>>
        tpu.wait_indirect_dma semaphore(%run_scoped3A : memref<!tpu.dma_semaphore, #tpu.memory_space<semaphore_mem>>) src(%arg12 : memref<80x128xf32, #tpu.memory_space<vmem>>) dst(%dma_wait3A_42 : memref<10240x128xf32, #tpu.memory_space<vmem_shared>>)
        tpu.yield
      }) : () -> ()
    }
    %scan3A_10 = arith.constant 64 : i32
    %barrier3A_11 = arith.constant 0 : index
    tpu.barrier barrier_id(%barrier3A_11)
    "tpu.region"() ({
      %run_scoped3A = tpu.sem_alloc : memref<!tpu.dma_semaphore, #tpu.memory_space<semaphore_mem>>
      %dma_start3A = arith.constant 0 : i32
      %dma_start3A_12 = tpu.memref_slice %arg6[%arg0, %multiple_of3A, %dma_start3A] : memref<2x10240x128xf32, #tpu.memory_space<hbm>> -> memref<1x640x128xf32, #tpu.memory_space<hbm>>
      %dma_start3A_13 = tpu.memref_squeeze %dma_start3A_12 : memref<1x640x128xf32, #tpu.memory_space<hbm>> -> memref<640x128xf32, #tpu.memory_space<hbm>>
      %dma_start3A_14 = arith.constant 0 : i32
      %dma_start3A_15 = tpu.memref_slice %arg17[%multiple_of3A, %dma_start3A_14] : memref<10240x128xf32, #tpu.memory_space<vmem_shared>> -> memref<640x128xf32, #tpu.memory_space<vmem_shared>>
      tpu.enqueue_dma source(%dma_start3A_15 : memref<640x128xf32, #tpu.memory_space<vmem_shared>>) target(%dma_start3A_13 : memref<640x128xf32, #tpu.memory_space<hbm>>) target_semaphore(%run_scoped3A : memref<!tpu.dma_semaphore, #tpu.memory_space<semaphore_mem>>)
      %dma_wait3A = arith.constant 0 : i32
      %dma_wait3A_16 = tpu.memref_slice %arg6[%arg0, %multiple_of3A, %dma_wait3A] : memref<2x10240x128xf32, #tpu.memory_space<hbm>> -> memref<1x640x128xf32, #tpu.memory_space<hbm>>
      %dma_wait3A_17 = tpu.memref_squeeze %dma_wait3A_16 : memref<1x640x128xf32, #tpu.memory_space<hbm>> -> memref<640x128xf32, #tpu.memory_space<hbm>>
      %dma_wait3A_18 = arith.constant 0 : i32
      %dma_wait3A_19 = tpu.memref_slice %arg17[%multiple_of3A, %dma_wait3A_18] : memref<10240x128xf32, #tpu.memory_space<vmem_shared>> -> memref<640x128xf32, #tpu.memory_space<vmem_shared>>
      tpu.wait_dma2 semaphore(%run_scoped3A : memref<!tpu.dma_semaphore, #tpu.memory_space<semaphore_mem>>) src(%dma_wait3A_19 : memref<640x128xf32, #tpu.memory_space<vmem_shared>>) dst(%dma_wait3A_17 : memref<640x128xf32, #tpu.memory_space<hbm>>)
      tpu.yield
    }) : () -> ()
    return
  }
}

module attributes {stable_mosaic.version = 14 : i64} {
  func.func @_tc_prep_body(%arg0: i32, %arg1: memref<2x1000x128xf32, #tpu.memory_space<vmem>>, %arg2: memref<1000x128xf32, #tpu.memory_space<vmem>>, %arg3: memref<1000x128xf32, #tpu.memory_space<vmem>>, %arg4: memref<1000x1xf32, #tpu.memory_space<vmem>>, %arg5: memref<1000x1xf32, #tpu.memory_space<vmem>>) attributes {dimension_semantics = [#tpu.dimension_semantics<arbitrary>], iteration_bounds = array<i64: 10>, scalar_prefetch = 0 : i64, scratch_operands = 0 : i64, tpu.core_type = #tpu.core_type<tc>, window_params = [{transform_indices = @transform_0, window_bounds = array<i64: 2, 1000, 128>}, {transform_indices = @transform_1, window_bounds = array<i64: 1000, 128>}, {transform_indices = @transform_2, window_bounds = array<i64: 1000, 128>}, {transform_indices = @transform_3, window_bounds = array<i64: 1000, 1>}, {transform_indices = @transform_4, window_bounds = array<i64: 1000, 1>}]} {
    %get3A = arith.constant 0 : index
    %get3A_0 = arith.constant 0 : index
    %get3A_1 = arith.constant 0 : index
    %get3A_2 = vector.load %arg1[%get3A, %get3A_0, %get3A_1] : memref<2x1000x128xf32, #tpu.memory_space<vmem>>, vector<2x1000x128xf32>
    %slice3A = vector.extract_strided_slice %get3A_2 {offsets = [0, 0, 0], sizes = [1, 1000, 1], strides = [1, 1, 1]} : vector<2x1000x128xf32> to vector<1x1000x1xf32>
    %squeeze3A = vector.shape_cast %slice3A : vector<1x1000x1xf32> to vector<1000x1xf32>
    %slice3A_3 = vector.extract_strided_slice %get3A_2 {offsets = [1, 0, 0], sizes = [1, 1000, 1], strides = [1, 1, 1]} : vector<2x1000x128xf32> to vector<1x1000x1xf32>
    %squeeze3A_4 = vector.shape_cast %slice3A_3 : vector<1x1000x1xf32> to vector<1000x1xf32>
    %add3A = arith.addf %squeeze3A, %squeeze3A_4 : vector<1000x1xf32>
    %slice3A_5 = vector.extract_strided_slice %get3A_2 {offsets = [0, 0, 1], sizes = [1, 1000, 1], strides = [1, 1, 1]} : vector<2x1000x128xf32> to vector<1x1000x1xf32>
    %squeeze3A_6 = vector.shape_cast %slice3A_5 : vector<1x1000x1xf32> to vector<1000x1xf32>
    %slice3A_7 = vector.extract_strided_slice %get3A_2 {offsets = [1, 0, 1], sizes = [1, 1000, 1], strides = [1, 1, 1]} : vector<2x1000x128xf32> to vector<1x1000x1xf32>
    %squeeze3A_8 = vector.shape_cast %slice3A_7 : vector<1x1000x1xf32> to vector<1000x1xf32>
    %add3A_9 = arith.addf %squeeze3A_6, %squeeze3A_8 : vector<1000x1xf32>
    %max3A = arith.constant 1.000000e+00 : f32
    %max3A_10 = vector.broadcast %max3A : f32 to vector<1000x1xf32>
    %max3A_11 = arith.maximumf %add3A, %max3A_10 : vector<1000x1xf32>
    %rsqrt3A = math.rsqrt %max3A_11 : vector<1000x1xf32>
    %max3A_12 = arith.constant 1.000000e+00 : f32
    %max3A_13 = vector.broadcast %max3A_12 : f32 to vector<1000x1xf32>
    %max3A_14 = arith.maximumf %add3A_9, %max3A_13 : vector<1000x1xf32>
    %rsqrt3A_15 = math.rsqrt %max3A_14 : vector<1000x1xf32>
    %get3A_16 = arith.constant 0 : index
    %get3A_17 = arith.constant 0 : index
    %get3A_18 = vector.load %arg2[%get3A_16, %get3A_17] : memref<1000x128xf32, #tpu.memory_space<vmem>>, vector<1000x128xf32>
    %mul3A = vector.broadcast %rsqrt3A : vector<1000x1xf32> to vector<1000x128xf32>
    %mul3A_19 = arith.mulf %get3A_18, %mul3A : vector<1000x128xf32>
    %swap3A = arith.constant 0 : index
    %swap3A_20 = arith.constant 0 : index
    %swap3A_21 = vector.load %arg3[%swap3A, %swap3A_20] : memref<1000x128xf32, #tpu.memory_space<vmem>>, vector<1000x128xf32>
    tpu.vector_store %arg3[%swap3A, %swap3A_20], %mul3A_19 {strides = array<i32>} : memref<1000x128xf32, #tpu.memory_space<vmem>>, vector<1000x128xf32>,
    %swap3A_22 = arith.constant 0 : index
    %swap3A_23 = arith.constant 0 : index
    %swap3A_24 = vector.load %arg4[%swap3A_22, %swap3A_23] : memref<1000x1xf32, #tpu.memory_space<vmem>>, vector<1000x1xf32>
    tpu.vector_store %arg4[%swap3A_22, %swap3A_23], %rsqrt3A {strides = array<i32>} : memref<1000x1xf32, #tpu.memory_space<vmem>>, vector<1000x1xf32>,
    %swap3A_25 = arith.constant 0 : index
    %swap3A_26 = arith.constant 0 : index
    %swap3A_27 = vector.load %arg5[%swap3A_25, %swap3A_26] : memref<1000x1xf32, #tpu.memory_space<vmem>>, vector<1000x1xf32>
    tpu.vector_store %arg5[%swap3A_25, %swap3A_26], %rsqrt3A_15 {strides = array<i32>} : memref<1000x1xf32, #tpu.memory_space<vmem>>, vector<1000x1xf32>,
    return
  }
  func.func @transform_0(%arg0: i32) -> (i32, i32, i32) {
    %c0_i32 = arith.constant 0 : i32
    %c0_i32_0 = arith.constant 0 : i32
    %c0_i32_1 = arith.constant 0 : i32
    return %c0_i32, %arg0, %c0_i32_0 : i32, i32, i32
  }
  func.func @transform_1(%arg0: i32) -> (i32, i32) {
    %c0_i32 = arith.constant 0 : i32
    %c0_i32_0 = arith.constant 0 : i32
    return %arg0, %c0_i32 : i32, i32
  }
  func.func @transform_2(%arg0: i32) -> (i32, i32) {
    %c0_i32 = arith.constant 0 : i32
    %c0_i32_0 = arith.constant 0 : i32
    return %arg0, %c0_i32 : i32, i32
  }
  func.func @transform_3(%arg0: i32) -> (i32, i32) {
    %c0_i32 = arith.constant 0 : i32
    %c0_i32_0 = arith.constant 0 : i32
    return %arg0, %c0_i32 : i32, i32
  }
  func.func @transform_4(%arg0: i32) -> (i32, i32) {
    %c0_i32 = arith.constant 0 : i32
    %c0_i32_0 = arith.constant 0 : i32
    return %arg0, %c0_i32 : i32, i32
  }
}

module attributes {stable_mosaic.version = 14 : i64} {
  func.func @_tc_layer_body(%arg0: i32, %arg1: memref<2x1000x128xf32, #tpu.memory_space<vmem>>, %arg2: memref<1000x1xf32, #tpu.memory_space<vmem>>, %arg3: memref<128x128xf32, #tpu.memory_space<vmem>>, %arg4: memref<1x128xf32, #tpu.memory_space<vmem>>, %arg5: memref<1000x1xf32, #tpu.memory_space<vmem>>, %arg6: memref<1000x128xf32, #tpu.memory_space<vmem>>) attributes {dimension_semantics = [#tpu.dimension_semantics<arbitrary>], iteration_bounds = array<i64: 10>, scalar_prefetch = 0 : i64, scratch_operands = 0 : i64, tpu.core_type = #tpu.core_type<tc>, window_params = [{transform_indices = @transform_0, window_bounds = array<i64: 2, 1000, 128>}, {transform_indices = @transform_1, window_bounds = array<i64: 1000, 1>}, {pipeline_mode = #tpu.pipeline_mode<synchronous>, transform_indices = @transform_2, window_bounds = array<i64: 128, 128>}, {pipeline_mode = #tpu.pipeline_mode<synchronous>, transform_indices = @transform_3, window_bounds = array<i64: 1, 128>}, {transform_indices = @transform_4, window_bounds = array<i64: 1000, 1>}, {transform_indices = @transform_5, window_bounds = array<i64: 1000, 128>}]} {
    %get3A = arith.constant 0 : index
    %get3A_0 = arith.constant 0 : index
    %get3A_1 = arith.constant 0 : index
    %get3A_2 = vector.load %arg1[%get3A, %get3A_0, %get3A_1] : memref<2x1000x128xf32, #tpu.memory_space<vmem>>, vector<1x1000x128xf32>
    %get3A_3 = vector.shape_cast %get3A_2 : vector<1x1000x128xf32> to vector<1000x128xf32>
    %get3A_4 = arith.constant 1 : index
    %get3A_5 = arith.constant 0 : index
    %get3A_6 = arith.constant 0 : index
    %get3A_7 = vector.load %arg1[%get3A_4, %get3A_5, %get3A_6] : memref<2x1000x128xf32, #tpu.memory_space<vmem>>, vector<1x1000x128xf32>
    %get3A_8 = vector.shape_cast %get3A_7 : vector<1x1000x128xf32> to vector<1000x128xf32>
    %add3A = arith.addf %get3A_3, %get3A_8 : vector<1000x128xf32>
    %get3A_9 = arith.constant 0 : index
    %get3A_10 = arith.constant 0 : index
    %get3A_11 = vector.load %arg2[%get3A_9, %get3A_10] : memref<1000x1xf32, #tpu.memory_space<vmem>>, vector<1000x1xf32>
    %mul3A = vector.broadcast %get3A_11 : vector<1000x1xf32> to vector<1000x128xf32>
    %mul3A_12 = arith.mulf %add3A, %mul3A : vector<1000x128xf32>
    %get3A_13 = arith.constant 0 : index
    %get3A_14 = arith.constant 0 : index
    %get3A_15 = vector.load %arg3[%get3A_13, %get3A_14] : memref<128x128xf32, #tpu.memory_space<vmem>>, vector<128x128xf32>
    %dot_general3A = arith.constant dense<0.000000e+00> : vector<1000x128xf32>
    %dot_general3A_16 = tpu.matmul %mul3A_12, %get3A_15, %dot_general3A {dimension_numbers = #tpu.dot_dimension_numbers<[1], [0], [0], [1], [0, 0, 1, 1], [], []>, transpose_lhs_hint = false} : vector<1000x128xf32>, vector<128x128xf32>, vector<1000x128xf32> -> vector<1000x128xf32>
    %get3A_17 = arith.constant 0 : index
    %get3A_18 = arith.constant 0 : index
    %get3A_19 = vector.load %arg4[%get3A_17, %get3A_18] : memref<1x128xf32, #tpu.memory_space<vmem>>, vector<1x128xf32>
    %add3A_20 = vector.broadcast %get3A_19 : vector<1x128xf32> to vector<1000x128xf32>
    %add3A_21 = arith.addf %dot_general3A_16, %add3A_20 : vector<1000x128xf32>
    %max3A = arith.constant 0.000000e+00 : f32
    %max3A_22 = vector.broadcast %max3A : f32 to vector<1000x128xf32>
    %max3A_23 = arith.maximumf %add3A_21, %max3A_22 : vector<1000x128xf32>
    %get3A_24 = arith.constant 0 : index
    %get3A_25 = arith.constant 0 : index
    %get3A_26 = vector.load %arg5[%get3A_24, %get3A_25] : memref<1000x1xf32, #tpu.memory_space<vmem>>, vector<1000x1xf32>
    %mul3A_27 = vector.broadcast %get3A_26 : vector<1000x1xf32> to vector<1000x128xf32>
    %mul3A_28 = arith.mulf %max3A_23, %mul3A_27 : vector<1000x128xf32>
    %swap3A = arith.constant 0 : index
    %swap3A_29 = arith.constant 0 : index
    %swap3A_30 = vector.load %arg6[%swap3A, %swap3A_29] : memref<1000x128xf32, #tpu.memory_space<vmem>>, vector<1000x128xf32>
    tpu.vector_store %arg6[%swap3A, %swap3A_29], %mul3A_28 {strides = array<i32>} : memref<1000x128xf32, #tpu.memory_space<vmem>>, vector<1000x128xf32>,
    return
  }
  func.func @transform_0(%arg0: i32) -> (i32, i32, i32) {
    %c0_i32 = arith.constant 0 : i32
    %c0_i32_0 = arith.constant 0 : i32
    %c0_i32_1 = arith.constant 0 : i32
    return %c0_i32, %arg0, %c0_i32_0 : i32, i32, i32
  }
  func.func @transform_1(%arg0: i32) -> (i32, i32) {
    %c0_i32 = arith.constant 0 : i32
    %c0_i32_0 = arith.constant 0 : i32
    return %arg0, %c0_i32 : i32, i32
  }
  func.func @transform_2(%arg0: i32) -> (i32, i32) {
    %c0_i32 = arith.constant 0 : i32
    %c0_i32_0 = arith.constant 0 : i32
    %c0_i32_1 = arith.constant 0 : i32
    return %c0_i32, %c0_i32_0 : i32, i32
  }
  func.func @transform_3(%arg0: i32) -> (i32, i32) {
    %c0_i32 = arith.constant 0 : i32
    %c0_i32_0 = arith.constant 0 : i32
    %c0_i32_1 = arith.constant 0 : i32
    return %c0_i32, %c0_i32_0 : i32, i32
  }
  func.func @transform_4(%arg0: i32) -> (i32, i32) {
    %c0_i32 = arith.constant 0 : i32
    %c0_i32_0 = arith.constant 0 : i32
    return %arg0, %c0_i32 : i32, i32
  }
  func.func @transform_5(%arg0: i32) -> (i32, i32) {
    %c0_i32 = arith.constant 0 : i32
    %c0_i32_0 = arith.constant 0 : i32
    return %arg0, %c0_i32 : i32, i32
  }
}

module attributes {stable_mosaic.version = 14 : i64} {
  func.func @_tc_layer_body(%arg0: i32, %arg1: memref<2x1000x128xf32, #tpu.memory_space<vmem>>, %arg2: memref<1000x1xf32, #tpu.memory_space<vmem>>, %arg3: memref<128x128xf32, #tpu.memory_space<vmem>>, %arg4: memref<1x128xf32, #tpu.memory_space<vmem>>, %arg5: memref<1000x1xf32, #tpu.memory_space<vmem>>, %arg6: memref<1000x128xf32, #tpu.memory_space<vmem>>) attributes {dimension_semantics = [#tpu.dimension_semantics<arbitrary>], iteration_bounds = array<i64: 10>, scalar_prefetch = 0 : i64, scratch_operands = 0 : i64, tpu.core_type = #tpu.core_type<tc>, window_params = [{transform_indices = @transform_0, window_bounds = array<i64: 2, 1000, 128>}, {transform_indices = @transform_1, window_bounds = array<i64: 1000, 1>}, {pipeline_mode = #tpu.pipeline_mode<synchronous>, transform_indices = @transform_2, window_bounds = array<i64: 128, 128>}, {pipeline_mode = #tpu.pipeline_mode<synchronous>, transform_indices = @transform_3, window_bounds = array<i64: 1, 128>}, {transform_indices = @transform_4, window_bounds = array<i64: 1000, 1>}, {transform_indices = @transform_5, window_bounds = array<i64: 1000, 128>}]} {
    %get3A = arith.constant 0 : index
    %get3A_0 = arith.constant 0 : index
    %get3A_1 = arith.constant 0 : index
    %get3A_2 = vector.load %arg1[%get3A, %get3A_0, %get3A_1] : memref<2x1000x128xf32, #tpu.memory_space<vmem>>, vector<1x1000x128xf32>
    %get3A_3 = vector.shape_cast %get3A_2 : vector<1x1000x128xf32> to vector<1000x128xf32>
    %get3A_4 = arith.constant 1 : index
    %get3A_5 = arith.constant 0 : index
    %get3A_6 = arith.constant 0 : index
    %get3A_7 = vector.load %arg1[%get3A_4, %get3A_5, %get3A_6] : memref<2x1000x128xf32, #tpu.memory_space<vmem>>, vector<1x1000x128xf32>
    %get3A_8 = vector.shape_cast %get3A_7 : vector<1x1000x128xf32> to vector<1000x128xf32>
    %add3A = arith.addf %get3A_3, %get3A_8 : vector<1000x128xf32>
    %get3A_9 = arith.constant 0 : index
    %get3A_10 = arith.constant 0 : index
    %get3A_11 = vector.load %arg2[%get3A_9, %get3A_10] : memref<1000x1xf32, #tpu.memory_space<vmem>>, vector<1000x1xf32>
    %mul3A = vector.broadcast %get3A_11 : vector<1000x1xf32> to vector<1000x128xf32>
    %mul3A_12 = arith.mulf %add3A, %mul3A : vector<1000x128xf32>
    %get3A_13 = arith.constant 0 : index
    %get3A_14 = arith.constant 0 : index
    %get3A_15 = vector.load %arg3[%get3A_13, %get3A_14] : memref<128x128xf32, #tpu.memory_space<vmem>>, vector<128x128xf32>
    %dot_general3A = arith.constant dense<0.000000e+00> : vector<1000x128xf32>
    %dot_general3A_16 = tpu.matmul %mul3A_12, %get3A_15, %dot_general3A {dimension_numbers = #tpu.dot_dimension_numbers<[1], [0], [0], [1], [0, 0, 1, 1], [], []>, transpose_lhs_hint = false} : vector<1000x128xf32>, vector<128x128xf32>, vector<1000x128xf32> -> vector<1000x128xf32>
    %get3A_17 = arith.constant 0 : index
    %get3A_18 = arith.constant 0 : index
    %get3A_19 = vector.load %arg4[%get3A_17, %get3A_18] : memref<1x128xf32, #tpu.memory_space<vmem>>, vector<1x128xf32>
    %add3A_20 = vector.broadcast %get3A_19 : vector<1x128xf32> to vector<1000x128xf32>
    %add3A_21 = arith.addf %dot_general3A_16, %add3A_20 : vector<1000x128xf32>
    %swap3A = arith.constant 0 : index
    %swap3A_22 = arith.constant 0 : index
    %swap3A_23 = vector.load %arg6[%swap3A, %swap3A_22] : memref<1000x128xf32, #tpu.memory_space<vmem>>, vector<1000x128xf32>
    tpu.vector_store %arg6[%swap3A, %swap3A_22], %add3A_21 {strides = array<i32>} : memref<1000x128xf32, #tpu.memory_space<vmem>>, vector<1000x128xf32>,
    return
  }
  func.func @transform_0(%arg0: i32) -> (i32, i32, i32) {
    %c0_i32 = arith.constant 0 : i32
    %c0_i32_0 = arith.constant 0 : i32
    %c0_i32_1 = arith.constant 0 : i32
    return %c0_i32, %arg0, %c0_i32_0 : i32, i32, i32
  }
  func.func @transform_1(%arg0: i32) -> (i32, i32) {
    %c0_i32 = arith.constant 0 : i32
    %c0_i32_0 = arith.constant 0 : i32
    return %arg0, %c0_i32 : i32, i32
  }
  func.func @transform_2(%arg0: i32) -> (i32, i32) {
    %c0_i32 = arith.constant 0 : i32
    %c0_i32_0 = arith.constant 0 : i32
    %c0_i32_1 = arith.constant 0 : i32
    return %c0_i32, %c0_i32_0 : i32, i32
  }
  func.func @transform_3(%arg0: i32) -> (i32, i32) {
    %c0_i32 = arith.constant 0 : i32
    %c0_i32_0 = arith.constant 0 : i32
    %c0_i32_1 = arith.constant 0 : i32
    return %c0_i32, %c0_i32_0 : i32, i32
  }
  func.func @transform_4(%arg0: i32) -> (i32, i32) {
    %c0_i32 = arith.constant 0 : i32
    %c0_i32_0 = arith.constant 0 : i32
    return %arg0, %c0_i32 : i32, i32
  }
  func.func @transform_5(%arg0: i32) -> (i32, i32) {
    %c0_i32 = arith.constant 0 : i32
    %c0_i32_0 = arith.constant 0 : i32
    return %arg0, %c0_i32 : i32, i32
  }
}

</mosaic_0001>

<sc_bundles>
// kernel: kernel.10.cloned.1.call-start
scs
__scs_entry_jumppad:
0x0: {  	(pc) =	sbr.rel $0x88, $3  }
0x1: {  	(tag) =	ssettag $0x0;
	lr =	simm.s32 $0x1  }
0x2: {  	[smem:$0x3F99] =	sst lr;
	_ =	strace $0xD0000000  }
0x3: {  	_ = 	snop  }
0x4: {  	_ = 	snop  }
0x5: {  	_ = 	snop  }
0x6: {  	_ = 	snop  }
0x7: {  	_ = 	snop  }
__scs_overlays_trampoline_lowered:
0x8: {  	[smem:$0x3FA8] =	sst s0  }
0x9: {  	[smem:$0x3FA9] =	sst s1  }
0xa: {  	[smem:$0x3FAA] =	sst s2  }
0xb: {  	[smem:$0x3FAB] =	sst s3  }
0xc: {  	[smem:$0x3FAC] =	sst s4  }
0xd: {  	[smem:$0x3FAD] =	sst s5  }
0xe: {  	[smem:$0x3FAE] =	sst s6  }
0xf: {  	[smem:$0x3FAF] =	sst s7  }
0x10: {  	[smem:$0x3FB0] =	sst s8  }
0x11: {  	[smem:$0x3FB1] =	sst s9;
	s0 =	simm.s32 @!p0 $0x0  }
0x12: {  	s1 =	sld [smem:$0x3F97];
	s0 =	simm.s32 @p0 $0x1  }
0x13: {  	[smem:$0x3FB2] =	sst s0;
	s0 =	simm.s32 @!p1 $0x0  }
0x14: {  	s2 =	sld [smem:$0x3F96];
	s0 =	simm.s32 @p1 $0x1  }
0x15: {  	[smem:$0x3FB3] =	sst s0;
	s0 =	simm.s32 @!p2 $0x0  }
0x16: {  	s3 =	sld [smem:$0x3FDB];
	s0 =	simm.s32 @p2 $0x1  }
0x17: {  	s4 =	simm.s32 $0x1BF5;
	[smem:$0x3FB5] =	sst s0  }
0x18: {  	s0 =	sld [smem:$0x3F98];
	_ =	swait.ge [sflag:s4], $0x0  }
0x19: {  	s7 =	sld [smem:$0x3F99]  }
0x1a: {  	s8 =	sadd.s32 $0xFFFFE003, lr  }
0x1b: {  	s9 =	sadd.s32 $0xFFFFFEF7, lr;
	s5 =	simm.s32 $0xFFFFFFFF;
	p2 =	slt.u32 s8, $0xFFFFF086  }
0x1c: {  	p1 =	slt.u32 s9, $0xF7A;
	s5 =	simm.s32 @!p2 $0x0  }
0x1d: {  	s5 =	simm.s32 @p1 $0x1;
	p0 =	seq.s32 s7, s2  }
0x1e: {  	s7 =	smul.u32 @!p0 $0xF7A, s2;
	p2 =	seq.s32 @!p0 s5, $0x0  }
0x1f: {  	s9 =	smul.u32 $0xF7A, s1;
	s8 =	simm.s32 @!p0 $0x1BF5;
	p2 =	por !p2, p0  }
0x20: {  	[sflag:s8] =	ssyncset.s32 @!p0 $0xFFFFF086;
	s6 =	sadd.s32 @!p0 s3, s7;
	s7 =	simm.s32 @!p0 $0x108  }
0x21: {  	s3 =	sadd.s32 s3, s9;
	s6 =	sadd.s32 @!p0 $0x88, s6;
	s7 =	simm.s32 @p2 $0x1082  }
0x22: {  	[simem:s7], [sflag:s8] =	dma.local @!p0 [hbm:s6], $0xF7A  }
0x23: {  	s9 =	sor.u32 $0xD0000000, s2;
	s6 =	simm.s32 $0x108;
	_ =	swait.ge @!p0 [sflag:s8], $0x0  }
0x24: {  	s3 =	sadd.s32 $0x88, s3;
	s6 =	simm.s32 @!p1 $0x1082;
	[sflag:s4] =	ssyncset.s32 $0xFFFFF086  }
0x25: {  	[simem:s6], [sflag:s4] =	dma.local [hbm:s3], $0xF7A  }
0x26: {  	[smem:$0x3F99] =	sst s1;
	(tag) =	ssettag s2;
	_ =	strace s9  }
0x27: {  	s1 =	sld [smem:$0x3FA9]  }
0x28: {  	s2 =	sld [smem:$0x3FAA]  }
0x29: {  	s4 =	sld [smem:$0x3FAC]  }
0x2a: {  	p0 =	seq.s32 s5, $0x0;
	s5 =	sld [smem:$0x3FAD]  }
0x2b: {  	s6 =	sld [smem:$0x3FAE]  }
0x2c: {  	s7 =	sld [smem:$0x3FAF]  }
0x2d: {  	s3 =	simm.s32 $0x108;
	s8 =	sld [smem:$0x3FB0]  }
0x2e: {  	s3 =	simm.s32 @!p0 $0x1082;
	s9 =	sld [smem:$0x3FB1]  }
0x2f: {  	lr =	sadd.s32 s0, s3;
	s0 =	sld [smem:$0x3FA8]  }
0x30: {  	s3 =	sld [smem:$0x3FAB]  }
0x31: {  	[smem:$0x3FB4] =	sst s10  }
0x32: {  	s10 =	sld [smem:$0x3FB2];
	_ =	sdelay $0x3  }
0x33: {  	p0 =	seq.s32 s10, $0x1;
	s10 =	sld [smem:$0x3FB4];
	_ =	sdelay $0x3  }
0x34: {  	[smem:$0x3FB4] =	sst s10  }
0x35: {  	s10 =	sld [smem:$0x3FB3];
	_ =	sdelay $0x3  }
0x36: {  	p1 =	seq.s32 s10, $0x1;
	s10 =	sld [smem:$0x3FB4];
	_ =	sdelay $0x3  }
0x37: {  	[smem:$0x3FB4] =	sst s10  }
0x38: {  	s10 =	sld [smem:$0x3FB5]  }
0x39: {  	_ = 	snop;
	(pc) =	sbr.ind lr, $3  }
0x3a: {  	_ = 	snop  }
0x3b: {  	_ = 	snop  }
0x3c: {  	p2 =	seq.s32 s10, $0x1;
	s10 =	sld [smem:$0x3FB4]  }
0x3d: {  	_ =	shalt  }
0x3e: {  	_ =	shalt  }
0x3f: {  	_ =	shalt  }
0x40: {  	_ =	shalt  }
0x41: {  	_ =	shalt  }
0x42: {  	_ =	shalt  }
0x43: {  	_ =	shalt  }
0x44: {  	_ =	shalt  }
0x45: {  	_ =	shalt  }
0x46: {  	_ =	shalt  }
0x47: {  	_ =	shalt  }
0x48: {  	_ =	shalt  }
0x49: {  	_ =	shalt  }
0x4a: {  	_ =	shalt  }
0x4b: {  	_ =	shalt  }
0x4c: {  	_ =	shalt  }
0x4d: {  	_ =	shalt  }
0x4e: {  	_ =	shalt  }
0x4f: {  	_ =	shalt  }
0x50: {  	_ =	shalt  }
0x51: {  	_ =	shalt  }
0x52: {  	_ =	shalt  }
0x53: {  	_ =	shalt  }
0x54: {  	_ =	shalt  }
0x55: {  	_ =	shalt  }
0x56: {  	_ =	shalt  }
0x57: {  	_ =	shalt  }
0x58: {  	_ =	shalt  }
0x59: {  	_ =	shalt  }
0x5a: {  	_ =	shalt  }
0x5b: {  	_ =	shalt  }
0x5c: {  	_ =	shalt  }
0x5d: {  	_ =	shalt  }
0x5e: {  	_ =	shalt  }
0x5f: {  	_ =	shalt  }
0x60: {  	_ =	shalt  }
0x61: {  	_ =	shalt  }
0x62: {  	_ =	shalt  }
0x63: {  	_ =	shalt  }
0x64: {  	_ =	shalt  }
0x65: {  	_ =	shalt  }
0x66: {  	_ =	shalt  }
0x67: {  	_ =	shalt  }
0x68: {  	_ =	shalt  }
0x69: {  	_ =	shalt  }
0x6a: {  	_ =	shalt  }
0x6b: {  	_ =	shalt  }
0x6c: {  	_ =	shalt  }
0x6d: {  	_ =	shalt  }
0x6e: {  	_ =	shalt  }
0x6f: {  	_ =	shalt  }
0x70: {  	_ =	shalt  }
0x71: {  	_ =	shalt  }
0x72: {  	_ =	shalt  }
0x73: {  	_ =	shalt  }
0x74: {  	_ =	shalt  }
0x75: {  	_ =	shalt  }
0x76: {  	_ =	shalt  }
0x77: {  	_ =	shalt  }
0x78: {  	_ =	shalt  }
0x79: {  	_ =	shalt  }
0x7a: {  	_ =	shalt  }
0x7b: {  	_ =	shalt  }
0x7c: {  	_ =	shalt  }
0x7d: {  	_ =	shalt  }
0x7e: {  	_ =	shalt  }
0x7f: {  	_ =	shalt  }
0x80: {  	_ =	shalt  }
0x81: {  	_ =	shalt  }
0x82: {  	_ =	shalt  }
0x83: {  	_ =	shalt  }
0x84: {  	_ =	shalt  }
0x85: {  	_ =	shalt  }
0x86: {  	_ =	shalt  }
0x87: {  	_ =	shalt  }
.Lfunc_end0:
.L_simem_size_0:
called_computation_lowered:
.L_overlay_start_0:
0x88: {  	s2 =	sld [smem:$0x3FD9]  }
0x89: {  	s3 =	sld [smem:$0x3FFE];
	_ =	sdelay $0x1  }
0x8a: {  	s1 =	srdreg.scid  }
0x8b: {  	s0 =	sand.u32 $0x1, s1  }
0x8c: {  	s17 =	sshll.u32 s0, $0xA;
	s2 =	sadd.s32 s3, s2  }
0x8d: {  	s2 =	sadd.s32 s2, s17  }
0x8e: {  	[smem:$0x3FC0] =	sst s2  }
0x8f: {  	_ = 	snop  }
0x90: {  	s2 =	sld [smem:$0x3FD0];
	(tm) =	ssettm $0x1  }
0x91: {  	s18 =	sld [smem:$0x3FFB];
	_ =	sdelay $0x3  }
0x92: {  	_ =	strace s18  }
0x93: {  	s3 =	sld [smem:$0x3FFC];
	_ =	sdelay $0x3  }
0x94: {  	_ =	strace s3  }
0x95: {  	s3 =	sld [smem:$0x3FFD];
	_ =	sdelay $0x3  }
0x96: {  	_ =	strace s3  }
0x97: {  	_ =	strace $0x8FFFFFFF  }
0x98: {  	s19 =	sld [smem:$0x3FDB];
	_ =	sdelay $0x1  }
0x99: {  	s4 =	simm.s32 $_scs_section_size  }
0x9a: {  	s5 =	simm.s32 $_size__tile_overlayer_lowered;
	s6 =	simm.s32 $_tile_overlayer_lowered  }
0x9b: {  	s22 =	simm.s32 $0x1BFF;
	s21 =	sshll.u32 s6, $0x1;
	s3 =	sadd.s32 s4, s19  }
0x9c: {  	s7 =	simm.s32 $0x0;
	s20 =	sshll.u32 s5, $0x1;
	s5 =	sadd.s32 s21, s3  }
0x9d: {  	[timem:s7], [sflag:s22] =	dma.local [hbm:s5], s20  }
0x9e: {  	_ =	swait.ge [sflag:s22], s20  }
0x9f: {  	s4 =	ssub.s32 $0x0, s20;
	[sflag:s22] =	ssyncset.done $0x0  }
0xa0: {  	[sflag:s22] =	ssyncadd.s32 s4;
	_ =	sdelay $0x1  }
0xa1: {  	s23 =	simm.s32 $0x1B8B  }
0xa2: {  	_ =	swait.ge [sflag:s23], $0x1  }
0xa3: {  	[sflag:s23] =	ssyncset.done $0x0  }
0xa4: {  	s25 =	simm.s32 $0x1B8E;
	s24 =	sld [smem:$0x3FFE];
	[sflag:s23] =	ssyncadd.s32 $0xFFFFFFFF  }
0xa5: {  	s26 =	simm.s32 $execute0_lowered;
	[smem:$0x3FD2] =	sst s25  }
0xa6: {  	s5 =	sshll.u32 s26, $0x1;
	_ =	strace $0x80000046;
	[dreg:$0x1] =	wrdreg $0xFFFFFFFF  }
0xa7: {  	s28 =	simm.s32 $_size_execute0_lowered;
	s3 =	sadd.s32 s3, s5;
	[dreg:$0x0] =	wrdreg $0x0  }
0xa8: {  	s5 =	sshll.u32 s28, $0x1;
	[dreg:$0x2] =	wrdreg s3  }
0xa9: {  	[dreg:$0x3] =	wrdreg s5  }
0xaa: {  	[dreg:$0x4] =	wrdreg $0xC0  }
0xab: {  	_ =	task [dreg:s7], $0x5FFFF  }
0xac: {  	[dreg:$0x1] =	wrdreg $0xFFFFFFFF  }
0xad: {  	[dreg:$0x0] =	wrdreg $0x60  }
0xae: {  	[dreg:$0x2] =	wrdreg s24  }
0xaf: {  	[dreg:$0x3] =	wrdreg s2  }
0xb0: {  	[dreg:$0x4] =	wrdreg $0x51000  }
0xb1: {  	[dreg:$0x5] =	wrdreg $0x9  }
0xb2: {  	_ =	task.clear_ibuf [dreg:s7], $0x6FFFF;
	_ =	strace $0x90000046  }
0xb3: {  	s29 =	simm.s32 $0x9;
	_ =	strace $0x80000048  }
0xb4: {  	_ =	swait.ge [sflag:s29], $0x1  }
0xb5: {  	[sflag:s29] =	ssyncadd.s32 $0xFFFFFFFF  }
0xb6: {  	_ =	strace $0x90000048  }
0xb7: {  	_ =	sfence  }
0xb8: {  	s30 =	sld [smem:$0x0];
	_ =	sdelay $0x2  }
0xb9: {  	s31 =	sshll.u32 s1, $0xD;
	s1 =	sshrl.u32 s1, $0x2  }
0xba: {  	s3 =	sand.u32 $0x4000, s31;
	s1 =	sadd.s32 s1, s30  }
0xbb: {  	s0 =	sor.u32 s3, s0;
	s1 =	sshll.u32 s1, $0x11  }
0xbc: {  	s0 =	sor.u32 s1, s0  }
0xbd: {  	s0 =	sadd.s32 $0x8F2B, s0  }
0xbe: {  	[sflag:s0] =	ssyncadd.remote.s32 $0x1  }
0xbf: {  	_ =	sfence.sel $0xFFFF  }
0xc0: {  	[dreg:$0x0] =	wrdreg $0xFFFFFFFF;
	(pc) =	sbr.abs _section_cstart, $3  }
0xc1: {  	[dreg:$0x1] =	wrdreg $0xFFFFFFFF  }
0xc2: {  	_ =	task.clear_ibuf [dreg:s7], $0x2FFFF;
	_ =	strace $0x9FFFFFFF  }
0xc3: {  	(tm) =	ssettm $0x7FFFFFFF  }
tec
execute0_lowered:
.L_overlay_start_1:
0x0: {  	(tag) =	ssettag $0x1  }
0x1: {  	s6 =	rddreg [dreg:$0x0]  }
0x2: {  	s10 =	rddreg [dreg:$0x1]  }
0x3: {  	s0 =	srdreg.scid;
	s2 =	rddreg [dreg:$0x2]  }
0x4: {  	s1 =	rddreg [dreg:$0x3];
	s7 =	sand.u32 $0x1, s0  }
0x5: {  	s0 =	stileid.u32;
	s4 =	smul.u32 $0x27100, s7  }
0x6: {  	s3 =	simm.s32 $0x0;
	s16 =	simm.s32 $0x80;
	s5 =	smul.u32 $0x2710, s0  }
0x7: {  	s17 =	simm.s32 $0x50;
	[smem:$0x7FF] =	sst s3;
	s8 =	smul.u32 $0x14000, s0  }
0x8: {  	s18 =	simm.s32 $0x0;
	_ =	strace $0x80000047;
	s9 =	smul.u32 $0x140000, s7  }
0x9: {  	s7 =	ssub.s32 $0x2, s7;
	s29 =	smul.u32 $0x50000, s0;
	s31 =	sshll.u32 s0, $0x6  }
0xa: {  	s14 =	sshrl.u32 s7, $0x1;
	s4 =	sadd.s32 s5, s4;
	s5 =	sadd.s32 $0xBC00, s6  }
0xb: {  	s13 =	sshrl.u32 s8, $0x3;
	s8 =	sadd.s32 s8, s9;
	s14 =	ssub.s32 s7, s14  }
0xc: {  	s30 =	sshrl.u32 s29, $0x2;
	s7 =	sor.u32 $0x1C01, s31;
	s11 =	sshrl.u32 s4, $0x3  }
0xd: {  	s4 =	sadd.s32 $0xC200, s6;
	s13 =	sadd.s32 s13, s6;
	s8 =	sshrl.u32 s8, $0x3  }
0xe: {  	s15 =	sadd.s32 s30, s2;
	s9 =	smax.u32 s14, $0x1;
	s14 =	simm.s32 $0x100  }
0xf: {  	s12 =	sadd.s32 s11, s6;
	s8 =	sadd.s32 s8, s6;
	s6 =	sadd.s32 $0xC800, s13  }
0x10: {  	s10 =	sadd.s32 s11, s10;
	s13 =	simm.s32 $0x1;
	s8 =	sadd.s32 $0x34800, s8  }
0x11: {  	s11 =	sadd.s32 $0x1E00, s12;
	s12 =	sshrl.u32 s15, $0x3;
	s15 =	simm.s32 $0x2900  }
.LBB2_1:
0x12: {  	[spmem:s12], [sflag:s7] =	dma.local [hbm:s6], $0x2800  }
0x13: {  	_ =	swait.ge [sflag:s13], $0x2800  }
0x14: {  	[sflag:s13] =	ssyncset.done $0x0  }
0x15: {  	[sflag:s13] =	ssyncadd.s32 $0xFFFFD800  }
0x16: {  	[tilespmem:s14], [sflag:$0x1] =	stream.linear.gather [hbm4b:s4+s3], $0x2800, $0x38;
	[tilespmem:$0x19100] =	vst v63  }
0x17: {  	_ =	swait.ge [sflag:s13], $0x2800  }
0x18: {  	[sflag:s13] =	ssyncset.done $0x0  }
0x19: {  	[sflag:s13] =	ssyncadd.s32 $0xFFFFD800  }
0x1a: {  	[tilespmem:s15], [sflag:$0x1] =	stream.linear.gather [hbm4b:s5+s3], $0x2800, $0x38;
	[tilespmem:$0x19100] =	vst v63  }
0x1b: {  	_ =	swait.ge [sflag:s13], $0x2800  }
0x1c: {  	[sflag:s13] =	ssyncset.done $0x0  }
0x1d: {  	[sflag:s13] =	ssyncadd.s32 $0xFFFFD800  }
0x1e: {  	s19 =	sadd.s32 $0x0, s11;
	[bflag:$0x0] =	sbarrier.arrive $0xFFFF  }
0x1f: {  	[tilespmem:s3], [sflag:$0x1] =	stream.linear.gather [hbm4b:s19+s3], $0x50, $0x38;
	[tilespmem:$0x19100] =	vst v63  }
0x20: {  	_ =	swait.ge [sflag:s13], $0x50  }
0x21: {  	[sflag:s13] =	ssyncset.done $0x0  }
0x22: {  	s31 =	sadd.s32 $0x0, s10;
	[sflag:s13] =	ssyncadd.s32 $0xFFFFFFB0  }
0x23: {  	[tilespmem:s16], [sflag:$0x1] =	stream.linear.gather [hbm4b:s31+s3], $0x50, $0x38;
	[tilespmem:$0x19100] =	vst v63  }
0x24: {  	_ =	swait.ge [sflag:s13], $0x50  }
0x25: {  	[sflag:s13] =	ssyncset.done $0x0  }
0x26: {  	[sflag:s13] =	ssyncadd.s32 $0xFFFFFFB0  }
0x27: {  	[spmem:s2] =	stream.indirect.scatter.add.f32 [tilespmem:s14], [sflag:$0x1], $0x80, s3, s17, $0xb8;
	[tilespmem:$0x19100] =	vst v63  }
0x28: {  	_ =	swait.ge [sflag:s13], $0x2800  }
0x29: {  	[sflag:s13] =	ssyncset.done $0x0  }
0x2a: {  	[sflag:s13] =	ssyncadd.s32 $0xFFFFD800  }
0x2b: {  	[spmem:s2] =	stream.indirect.scatter.add.f32 [tilespmem:s15], [sflag:$0x1], $0x80, s16, s17, $0xb8;
	[tilespmem:$0x19100] =	vst v63  }
0x2c: {  	_ =	swait.ge [sflag:s13], $0x2800  }
0x2d: {  	s20 =	simm.s32 $0x14;
	s19 =	simm.s32 $0xA;
	[sflag:s13] =	ssyncset.done $0x0  }
.LBB2_2:
0x2e: {  	s21 =	sadd.s32 s19, s11  }
0x2f: {  	[sflag:s13] =	ssyncadd.s32 $0xFFFFD800;
	s22 =	smov.u32 s20;
	s23 =	sadd.s32 $0xA, s20  }
0x30: {  	[tilespmem:s3], [sflag:$0x1] =	stream.linear.gather [hbm4b:s21+s3], $0x50, $0x38;
	[tilespmem:$0x19100] =	vst v63  }
0x31: {  	p0 =	sne.s32 s20, $0x4D8;
	_ =	swait.ge [sflag:s13], $0x50  }
0x32: {  	[sflag:s13] =	ssyncset.done $0x0  }
0x33: {  	s20 =	sadd.s32 s19, s10;
	s19 =	smov.u32 s22;
	[sflag:s13] =	ssyncadd.s32 $0xFFFFFFB0  }
0x34: {  	[tilespmem:s16], [sflag:$0x1] =	stream.linear.gather [hbm4b:s20+s3], $0x50, $0x38;
	[tilespmem:$0x19100] =	vst v63  }
0x35: {  	_ =	swait.ge [sflag:s13], $0x50  }
0x36: {  	[sflag:s13] =	ssyncset.done $0x0  }
0x37: {  	[sflag:s13] =	ssyncadd.s32 $0xFFFFFFB0  }
0x38: {  	[spmem:s2] =	stream.indirect.scatter.add.f32 [tilespmem:s14], [sflag:$0x1], $0x80, s3, s17, $0xb8;
	[tilespmem:$0x19100] =	vst v63  }
0x39: {  	_ =	swait.ge [sflag:s13], $0x2800  }
.Ltmp0:
0x3a: {  	[sflag:s13] =	ssyncset.done $0x0;
	(pc) =	sbr.rel @p0 .LBB2_2-.Ltmp0, $4  }
0x3b: {  	[sflag:s13] =	ssyncadd.s32 $0xFFFFD800  }
0x3c: {  	[spmem:s2] =	stream.indirect.scatter.add.f32 [tilespmem:s15], [sflag:$0x1], $0x80, s16, s17, $0xb8;
	[tilespmem:$0x19100] =	vst v63  }
0x3d: {  	_ =	swait.ge [sflag:s13], $0x2800  }
0x3e: {  	s20 =	smov.u32 s23;
	[sflag:s13] =	ssyncset.done $0x0  }
0x3f: {  	s20 =	sadd.s32 s19, s11;
	[sflag:s13] =	ssyncadd.s32 $0xFFFFD800  }
0x40: {  	[tilespmem:s3], [sflag:$0x1] =	stream.linear.gather [hbm4b:s20+s3], $0x50, $0x38;
	[tilespmem:$0x19100] =	vst v63  }
0x41: {  	_ =	swait.ge [sflag:s13], $0x50  }
0x42: {  	[sflag:s13] =	ssyncset.done $0x0  }
0x43: {  	s31 =	sadd.s32 s19, s10;
	[sflag:s13] =	ssyncadd.s32 $0xFFFFFFB0  }
0x44: {  	[tilespmem:s16], [sflag:$0x1] =	stream.linear.gather [hbm4b:s31+s3], $0x50, $0x38;
	[tilespmem:$0x19100] =	vst v63  }
0x45: {  	_ =	swait.ge [sflag:s13], $0x50  }
0x46: {  	[sflag:s13] =	ssyncset.done $0x0  }
0x47: {  	[sflag:s13] =	ssyncadd.s32 $0xFFFFFFB0  }
0x48: {  	[spmem:s2] =	stream.indirect.scatter.add.f32 [tilespmem:s14], [sflag:$0x1], $0x80, s3, s17, $0xb8;
	[tilespmem:$0x19100] =	vst v63  }
0x49: {  	_ =	swait.ge [sflag:s13], $0x2800  }
0x4a: {  	[sflag:s13] =	ssyncset.done $0x0  }
0x4b: {  	[sflag:s13] =	ssyncadd.s32 $0xFFFFD800  }
0x4c: {  	[spmem:s2] =	stream.indirect.scatter.add.f32 [tilespmem:s15], [sflag:$0x1], $0x80, s16, s17, $0xb8;
	[tilespmem:$0x19100] =	vst v63  }
0x4d: {  	_ =	swait.ge [sflag:s13], $0x2800  }
0x4e: {  	s18 =	sadd.s32 $0x1, s18;
	[sflag:s13] =	ssyncset.done $0x0  }
0x4f: {  	p0 =	sne.s32 s18, s9;
	[sflag:s13] =	ssyncadd.s32 $0xFFFFD800  }
.Ltmp1:
0x50: {  	[bflag:$0x0] =	sbarrier.arrive $0xFFFF;
	(pc) =	sbr.rel @p0 .LBB2_1-.Ltmp1, $4  }
0x51: {  	[hbm:s8], [sflag:s7] =	dma.local [spmem:s12], $0x2800  }
0x52: {  	_ =	swait.ge [sflag:s13], $0x2800  }
0x53: {  	[sflag:s13] =	ssyncset.done $0x0  }
0x54: {  	[sflag:s13] =	ssyncadd.s32 $0xFFFFD800  }
0x55: {  	_ =	sfence.sel $0x180000  }
0x56: {  	[bflag:$0x0] =	sbarrier.arrive $0xFFFF  }
0x57: {  	p0 =	sne.s32 s0, $0x0;
	_ =	strace $0x90000047  }
0x58: {  	s0 =	sadd.s32 @!p0 $0x100000, s1;
	[bflag:$0x2] =	sbarrier.arrive $0xFFFF  }
0x59: {  	[sflag:s0] =	ssyncadd.tile.s32 @!p0 $0x1;
	_ =	shalt  }
.Lfunc_end2:
_tile_overlayer_lowered:
.L_overlay_start_2:
0x5a: {  	(tag) =	ssettag $0x2  }
0x5b: {  	s0 =	rddreg [dreg:$0x0];
	s2 =	stileid.u32  }
0x5c: {  	s1 =	rddreg [dreg:$0x1];
	p0 =	sne.s32 s2, $0x0  }
0x5d: {  	s3 =	rddreg [dreg:$0x2];
	[bflag:$0x3] =	sbarrier.arrive $0xFFFF;
	s2 =	simm.s32 @!p0 $0x1C01  }
0x5e: {  	[timem:s3], [sflag:s2] =	dma.local @!p0 [hbm:s0], s1  }
0x5f: {  	s0 =	simm.s32 @!p0 $0x1  }
0x60: {  	_ =	swait.ge @!p0 [sflag:s0], s1  }
0x61: {  	s1 =	ssub.s32 @!p0 $0x0, s1;
	[sflag:s0] =	ssyncset.done @!p0 $0x0  }
0x62: {  	[sflag:s0] =	ssyncadd.s32 @!p0 s1  }
0x63: {  	[bflag:$0x3] =	sbarrier.arrive $0xFFFF  }
0x64: {  	_ =	shalt  }

// kernel: kernel.13.cloned.1.call-start
scs
__scs_entry_jumppad:
0x0: {  	(pc) =	sbr.rel $0x88, $3  }
0x1: {  	(tag) =	ssettag $0x0;
	lr =	simm.s32 $0x1  }
0x2: {  	[smem:$0x3F99] =	sst lr;
	_ =	strace $0xD0000000  }
0x3: {  	_ = 	snop  }
0x4: {  	_ = 	snop  }
0x5: {  	_ = 	snop  }
0x6: {  	_ = 	snop  }
0x7: {  	_ = 	snop  }
__scs_overlays_trampoline_lowered:
0x8: {  	[smem:$0x3FA8] =	sst s0  }
0x9: {  	[smem:$0x3FA9] =	sst s1  }
0xa: {  	[smem:$0x3FAA] =	sst s2  }
0xb: {  	[smem:$0x3FAB] =	sst s3  }
0xc: {  	[smem:$0x3FAC] =	sst s4  }
0xd: {  	[smem:$0x3FAD] =	sst s5  }
0xe: {  	[smem:$0x3FAE] =	sst s6  }
0xf: {  	[smem:$0x3FAF] =	sst s7  }
0x10: {  	[smem:$0x3FB0] =	sst s8  }
0x11: {  	[smem:$0x3FB1] =	sst s9;
	s0 =	simm.s32 @!p0 $0x0  }
0x12: {  	s1 =	sld [smem:$0x3F97];
	s0 =	simm.s32 @p0 $0x1  }
0x13: {  	[smem:$0x3FB2] =	sst s0;
	s0 =	simm.s32 @!p1 $0x0  }
0x14: {  	s2 =	sld [smem:$0x3F96];
	s0 =	simm.s32 @p1 $0x1  }
0x15: {  	[smem:$0x3FB3] =	sst s0;
	s0 =	simm.s32 @!p2 $0x0  }
0x16: {  	s3 =	sld [smem:$0x3FDB];
	s0 =	simm.s32 @p2 $0x1  }
0x17: {  	s4 =	simm.s32 $0x1BF5;
	[smem:$0x3FB5] =	sst s0  }
0x18: {  	s0 =	sld [smem:$0x3F98];
	_ =	swait.ge [sflag:s4], $0x0  }
0x19: {  	s7 =	sld [smem:$0x3F99]  }
0x1a: {  	s8 =	sadd.s32 $0xFFFFE003, lr  }
0x1b: {  	s9 =	sadd.s32 $0xFFFFFEF7, lr;
	s5 =	simm.s32 $0xFFFFFFFF;
	p2 =	slt.u32 s8, $0xFFFFF086  }
0x1c: {  	p1 =	slt.u32 s9, $0xF7A;
	s5 =	simm.s32 @!p2 $0x0  }
0x1d: {  	s5 =	simm.s32 @p1 $0x1;
	p0 =	seq.s32 s7, s2  }
0x1e: {  	s7 =	smul.u32 @!p0 $0xF7A, s2;
	p2 =	seq.s32 @!p0 s5, $0x0  }
0x1f: {  	s9 =	smul.u32 $0xF7A, s1;
	s8 =	simm.s32 @!p0 $0x1BF5;
	p2 =	por !p2, p0  }
0x20: {  	[sflag:s8] =	ssyncset.s32 @!p0 $0xFFFFF086;
	s6 =	sadd.s32 @!p0 s3, s7;
	s7 =	simm.s32 @!p0 $0x108  }
0x21: {  	s3 =	sadd.s32 s3, s9;
	s6 =	sadd.s32 @!p0 $0x88, s6;
	s7 =	simm.s32 @p2 $0x1082  }
0x22: {  	[simem:s7], [sflag:s8] =	dma.local @!p0 [hbm:s6], $0xF7A  }
0x23: {  	s9 =	sor.u32 $0xD0000000, s2;
	s6 =	simm.s32 $0x108;
	_ =	swait.ge @!p0 [sflag:s8], $0x0  }
0x24: {  	s3 =	sadd.s32 $0x88, s3;
	s6 =	simm.s32 @!p1 $0x1082;
	[sflag:s4] =	ssyncset.s32 $0xFFFFF086  }
0x25: {  	[simem:s6], [sflag:s4] =	dma.local [hbm:s3], $0xF7A  }
0x26: {  	[smem:$0x3F99] =	sst s1;
	(tag) =	ssettag s2;
	_ =	strace s9  }
0x27: {  	s1 =	sld [smem:$0x3FA9]  }
0x28: {  	s2 =	sld [smem:$0x3FAA]  }
0x29: {  	s4 =	sld [smem:$0x3FAC]  }
0x2a: {  	p0 =	seq.s32 s5, $0x0;
	s5 =	sld [smem:$0x3FAD]  }
0x2b: {  	s6 =	sld [smem:$0x3FAE]  }
0x2c: {  	s7 =	sld [smem:$0x3FAF]  }
0x2d: {  	s3 =	simm.s32 $0x108;
	s8 =	sld [smem:$0x3FB0]  }
0x2e: {  	s3 =	simm.s32 @!p0 $0x1082;
	s9 =	sld [smem:$0x3FB1]  }
0x2f: {  	lr =	sadd.s32 s0, s3;
	s0 =	sld [smem:$0x3FA8]  }
0x30: {  	s3 =	sld [smem:$0x3FAB]  }
0x31: {  	[smem:$0x3FB4] =	sst s10  }
0x32: {  	s10 =	sld [smem:$0x3FB2];
	_ =	sdelay $0x3  }
0x33: {  	p0 =	seq.s32 s10, $0x1;
	s10 =	sld [smem:$0x3FB4];
	_ =	sdelay $0x3  }
0x34: {  	[smem:$0x3FB4] =	sst s10  }
0x35: {  	s10 =	sld [smem:$0x3FB3];
	_ =	sdelay $0x3  }
0x36: {  	p1 =	seq.s32 s10, $0x1;
	s10 =	sld [smem:$0x3FB4];
	_ =	sdelay $0x3  }
0x37: {  	[smem:$0x3FB4] =	sst s10  }
0x38: {  	s10 =	sld [smem:$0x3FB5]  }
0x39: {  	_ = 	snop;
	(pc) =	sbr.ind lr, $3  }
0x3a: {  	_ = 	snop  }
0x3b: {  	_ = 	snop  }
0x3c: {  	p2 =	seq.s32 s10, $0x1;
	s10 =	sld [smem:$0x3FB4]  }
0x3d: {  	_ =	shalt  }
0x3e: {  	_ =	shalt  }
0x3f: {  	_ =	shalt  }
0x40: {  	_ =	shalt  }
0x41: {  	_ =	shalt  }
0x42: {  	_ =	shalt  }
0x43: {  	_ =	shalt  }
0x44: {  	_ =	shalt  }
0x45: {  	_ =	shalt  }
0x46: {  	_ =	shalt  }
0x47: {  	_ =	shalt  }
0x48: {  	_ =	shalt  }
0x49: {  	_ =	shalt  }
0x4a: {  	_ =	shalt  }
0x4b: {  	_ =	shalt  }
0x4c: {  	_ =	shalt  }
0x4d: {  	_ =	shalt  }
0x4e: {  	_ =	shalt  }
0x4f: {  	_ =	shalt  }
0x50: {  	_ =	shalt  }
0x51: {  	_ =	shalt  }
0x52: {  	_ =	shalt  }
0x53: {  	_ =	shalt  }
0x54: {  	_ =	shalt  }
0x55: {  	_ =	shalt  }
0x56: {  	_ =	shalt  }
0x57: {  	_ =	shalt  }
0x58: {  	_ =	shalt  }
0x59: {  	_ =	shalt  }
0x5a: {  	_ =	shalt  }
0x5b: {  	_ =	shalt  }
0x5c: {  	_ =	shalt  }
0x5d: {  	_ =	shalt  }
0x5e: {  	_ =	shalt  }
0x5f: {  	_ =	shalt  }
0x60: {  	_ =	shalt  }
0x61: {  	_ =	shalt  }
0x62: {  	_ =	shalt  }
0x63: {  	_ =	shalt  }
0x64: {  	_ =	shalt  }
0x65: {  	_ =	shalt  }
0x66: {  	_ =	shalt  }
0x67: {  	_ =	shalt  }
0x68: {  	_ =	shalt  }
0x69: {  	_ =	shalt  }
0x6a: {  	_ =	shalt  }
0x6b: {  	_ =	shalt  }
0x6c: {  	_ =	shalt  }
0x6d: {  	_ =	shalt  }
0x6e: {  	_ =	shalt  }
0x6f: {  	_ =	shalt  }
0x70: {  	_ =	shalt  }
0x71: {  	_ =	shalt  }
0x72: {  	_ =	shalt  }
0x73: {  	_ =	shalt  }
0x74: {  	_ =	shalt  }
0x75: {  	_ =	shalt  }
0x76: {  	_ =	shalt  }
0x77: {  	_ =	shalt  }
0x78: {  	_ =	shalt  }
0x79: {  	_ =	shalt  }
0x7a: {  	_ =	shalt  }
0x7b: {  	_ =	shalt  }
0x7c: {  	_ =	shalt  }
0x7d: {  	_ =	shalt  }
0x7e: {  	_ =	shalt  }
0x7f: {  	_ =	shalt  }
0x80: {  	_ =	shalt  }
0x81: {  	_ =	shalt  }
0x82: {  	_ =	shalt  }
0x83: {  	_ =	shalt  }
0x84: {  	_ =	shalt  }
0x85: {  	_ =	shalt  }
0x86: {  	_ =	shalt  }
0x87: {  	_ =	shalt  }
.Lfunc_end0:
.L_simem_size_0:
called_computation.1_lowered:
.L_overlay_start_0:
0x88: {  	s2 =	sld [smem:$0x3FD9]  }
0x89: {  	s3 =	sld [smem:$0x3FFE];
	_ =	sdelay $0x1  }
0x8a: {  	s1 =	srdreg.scid  }
0x8b: {  	s0 =	sand.u32 $0x1, s1  }
0x8c: {  	s17 =	sshll.u32 s0, $0xA;
	s2 =	sadd.s32 s3, s2  }
0x8d: {  	s2 =	sadd.s32 s2, s17  }
0x8e: {  	[smem:$0x3FC0] =	sst s2  }
0x8f: {  	_ = 	snop  }
0x90: {  	s2 =	sld [smem:$0x3FD0];
	(tm) =	ssettm $0x1  }
0x91: {  	s18 =	sld [smem:$0x3FFB];
	_ =	sdelay $0x3  }
0x92: {  	_ =	strace s18  }
0x93: {  	s3 =	sld [smem:$0x3FFC];
	_ =	sdelay $0x3  }
0x94: {  	_ =	strace s3  }
0x95: {  	s3 =	sld [smem:$0x3FFD];
	_ =	sdelay $0x3  }
0x96: {  	_ =	strace s3  }
0x97: {  	_ =	strace $0x8FFFFFFF  }
0x98: {  	s19 =	sld [smem:$0x3FDB];
	_ =	sdelay $0x1  }
0x99: {  	s4 =	simm.s32 $_scs_section_size  }
0x9a: {  	s5 =	simm.s32 $_size__tile_overlayer_lowered;
	s6 =	simm.s32 $_tile_overlayer_lowered  }
0x9b: {  	s22 =	simm.s32 $0x1BFF;
	s21 =	sshll.u32 s6, $0x1;
	s3 =	sadd.s32 s4, s19  }
0x9c: {  	s7 =	simm.s32 $0x0;
	s20 =	sshll.u32 s5, $0x1;
	s5 =	sadd.s32 s21, s3  }
0x9d: {  	[timem:s7], [sflag:s22] =	dma.local [hbm:s5], s20  }
0x9e: {  	_ =	swait.ge [sflag:s22], s20  }
0x9f: {  	s4 =	ssub.s32 $0x0, s20;
	[sflag:s22] =	ssyncset.done $0x0  }
0xa0: {  	[sflag:s22] =	ssyncadd.s32 s4;
	_ =	sdelay $0x1  }
0xa1: {  	s23 =	simm.s32 $0x1B8B  }
0xa2: {  	_ =	swait.ge [sflag:s23], $0x1  }
0xa3: {  	[sflag:s23] =	ssyncset.done $0x0  }
0xa4: {  	s25 =	simm.s32 $0x1B8E;
	s24 =	sld [smem:$0x3FFE];
	[sflag:s23] =	ssyncadd.s32 $0xFFFFFFFF  }
0xa5: {  	s26 =	simm.s32 $execute0_lowered;
	[smem:$0x3FD2] =	sst s25  }
0xa6: {  	s5 =	sshll.u32 s26, $0x1;
	_ =	strace $0x80000049;
	[dreg:$0x1] =	wrdreg $0xFFFFFFFF  }
0xa7: {  	s28 =	simm.s32 $_size_execute0_lowered;
	s3 =	sadd.s32 s3, s5;
	[dreg:$0x0] =	wrdreg $0x0  }
0xa8: {  	s5 =	sshll.u32 s28, $0x1;
	[dreg:$0x2] =	wrdreg s3  }
0xa9: {  	[dreg:$0x3] =	wrdreg s5  }
0xaa: {  	[dreg:$0x4] =	wrdreg $0xC0  }
0xab: {  	_ =	task [dreg:s7], $0x5FFFF  }
0xac: {  	[dreg:$0x1] =	wrdreg $0xFFFFFFFF  }
0xad: {  	[dreg:$0x0] =	wrdreg $0x60  }
0xae: {  	[dreg:$0x2] =	wrdreg s2  }
0xaf: {  	[dreg:$0x3] =	wrdreg s24  }
0xb0: {  	[dreg:$0x4] =	wrdreg $0x52000  }
0xb1: {  	[dreg:$0x5] =	wrdreg $0x9  }
0xb2: {  	_ =	task.clear_ibuf [dreg:s7], $0x6FFFF;
	_ =	strace $0x90000049  }
0xb3: {  	s29 =	simm.s32 $0x9;
	_ =	strace $0x8000004B  }
0xb4: {  	_ =	swait.ge [sflag:s29], $0x1  }
0xb5: {  	[sflag:s29] =	ssyncadd.s32 $0xFFFFFFFF  }
0xb6: {  	_ =	strace $0x9000004B  }
0xb7: {  	_ =	sfence  }
0xb8: {  	s30 =	sld [smem:$0x0];
	_ =	sdelay $0x2  }
0xb9: {  	s31 =	sshll.u32 s1, $0xD;
	s1 =	sshrl.u32 s1, $0x2  }
0xba: {  	s3 =	sand.u32 $0x4000, s31;
	s1 =	sadd.s32 s1, s30  }
0xbb: {  	s0 =	sor.u32 s3, s0;
	s1 =	sshll.u32 s1, $0x11  }
0xbc: {  	s0 =	sor.u32 s1, s0  }
0xbd: {  	s0 =	sadd.s32 $0x8F2B, s0  }
0xbe: {  	[sflag:s0] =	ssyncadd.remote.s32 $0x1  }
0xbf: {  	_ =	sfence.sel $0xFFFF  }
0xc0: {  	[dreg:$0x0] =	wrdreg $0xFFFFFFFF;
	(pc) =	sbr.abs _section_cstart, $3  }
0xc1: {  	[dreg:$0x1] =	wrdreg $0xFFFFFFFF  }
0xc2: {  	_ =	task.clear_ibuf [dreg:s7], $0x2FFFF;
	_ =	strace $0x9FFFFFFF  }
0xc3: {  	(tm) =	ssettm $0x7FFFFFFF  }
tec
execute0_lowered:
.L_overlay_start_1:
0x0: {  	(tag) =	ssettag $0x1  }
0x1: {  	s1 =	rddreg [dreg:$0x0]  }
0x2: {  	s5 =	rddreg [dreg:$0x1]  }
0x3: {  	s3 =	rddreg [dreg:$0x2]  }
0x4: {  	s0 =	rddreg [dreg:$0x3];
	s4 =	simm.s32 $0x0;
	s2 =	stileid.u32  }
0x5: {  	s6 =	srdreg.scid;
	s15 =	simm.s32 $0x80;
	s16 =	simm.s32 $0x50  }
0x6: {  	s17 =	simm.s32 $0x200;
	s18 =	simm.s32 $0x100;
	s19 =	simm.s32 $0x180  }
0x7: {  	s20 =	simm.s32 $0x2A00;
	s21 =	simm.s32 $0x1;
	s22 =	simm.s32 $0x2  }
0x8: {  	s23 =	simm.s32 $0x0;
	[smem:$0x7FF] =	sst s4;
	s7 =	smul.u32 $0x14000, s2  }
0x9: {  	s6 =	sand.u32 $0x1, s6;
	s12 =	sadd.s32 $0x8E800, s5;
	s25 =	smul.u32 $0x50000, s2  }
0xa: {  	s11 =	sadd.s32 $0x84800, s5;
	s14 =	smul.u32 $0x2800, s2;
	s28 =	sshll.u32 s2, $0x6  }
0xb: {  	_ =	strace $0x8000004A;
	s8 =	smul.u32 $0x140000, s6;
	s10 =	ssub.s32 $0x2, s6  }
0xc: {  	s6 =	smul.u32 $0x28000, s6;
	s9 =	sshrl.u32 s7, $0x3;
	s13 =	sshrl.u32 s10, $0x1  }
0xd: {  	s9 =	sadd.s32 s9, s5;
	s7 =	sadd.s32 s7, s8;
	s8 =	sshrl.u32 s25, $0x2  }
0xe: {  	s10 =	ssub.s32 s10, s13;
	s29 =	sadd.s32 s14, s6;
	s6 =	sor.u32 $0x1C03, s28  }
0xf: {  	s7 =	sshrl.u32 s7, $0x3;
	s26 =	sadd.s32 s8, s3;
	s14 =	sor.u32 $0x50, s29  }
0x10: {  	s8 =	smax.u32 s10, $0x1;
	s31 =	sshrl.u32 s29, $0x3;
	s7 =	sadd.s32 s7, s5  }
0x11: {  	s5 =	sadd.s32 $0xC800, s9;
	s30 =	sshrl.u32 s14, $0x3;
	s13 =	sshrl.u32 s26, $0x3  }
0x12: {  	s14 =	simm.s32 $0x3;
	s7 =	sadd.s32 $0x34800, s7;
	s9 =	sadd.s32 s30, s11  }
0x13: {  	s10 =	sadd.s32 s30, s12;
	s11 =	sadd.s32 s31, s11;
	s12 =	sadd.s32 s31, s12  }
.LBB2_1:
0x14: {  	[spmem:s13], [sflag:s6] =	dma.local [hbm:s5], $0x2800  }
0x15: {  	_ =	swait.ge [sflag:s14], $0x2800  }
0x16: {  	[sflag:s14] =	ssyncset.done $0x0  }
0x17: {  	[sflag:s14] =	ssyncadd.s32 $0xFFFFD800  }
0x18: {  	s24 =	sadd.s32 $0x0, s12;
	[bflag:$0x0] =	sbarrier.arrive $0xFFFF  }
0x19: {  	[tilespmem:s4], [sflag:$0x3] =	stream.linear.gather [hbm4b:s24+s4], $0x50, $0x38;
	[tilespmem:$0x19200] =	vst v63  }
0x1a: {  	_ =	swait.ge [sflag:s14], $0x50  }
0x1b: {  	[sflag:s14] =	ssyncset.done $0x0  }
0x1c: {  	s29 =	sadd.s32 $0x0, s11;
	[sflag:s14] =	ssyncadd.s32 $0xFFFFFFB0  }
0x1d: {  	[tilespmem:s15], [sflag:$0x3] =	stream.linear.gather [hbm4b:s29+s4], $0x50, $0x38;
	[tilespmem:$0x19200] =	vst v63  }
0x1e: {  	_ =	swait.ge [sflag:s14], $0x50  }
0x1f: {  	[sflag:s14] =	ssyncset.done $0x0  }
0x20: {  	[sflag:s14] =	ssyncadd.s32 $0xFFFFFFB0  }
0x21: {  	[tilespmem:s17], [sflag:$0x1] =	stream.indirect.gather [hbm4b:s1+s16], $0x80, s4, s16, $0xb8;
	[tilespmem:$0x19200] =	vst v63  }
0x22: {  	s30 =	sadd.s32 $0x0, s10  }
0x23: {  	[tilespmem:s18], [sflag:$0x3] =	stream.linear.gather [hbm4b:s30+s4], $0x50, $0x38;
	[tilespmem:$0x19200] =	vst v63  }
0x24: {  	_ =	swait.ge [sflag:s14], $0x50  }
0x25: {  	[sflag:s14] =	ssyncset.done $0x0  }
0x26: {  	s31 =	sadd.s32 $0x0, s9;
	[sflag:s14] =	ssyncadd.s32 $0xFFFFFFB0  }
0x27: {  	[tilespmem:s19], [sflag:$0x3] =	stream.linear.gather [hbm4b:s31+s4], $0x50, $0x38;
	[tilespmem:$0x19200] =	vst v63  }
0x28: {  	_ =	swait.ge [sflag:s14], $0x50  }
0x29: {  	[sflag:s14] =	ssyncset.done $0x0  }
0x2a: {  	[sflag:s14] =	ssyncadd.s32 $0xFFFFFFB0  }
0x2b: {  	[tilespmem:s20], [sflag:$0x2] =	stream.indirect.gather [hbm4b:s1+s16], $0x80, s18, s16, $0xb8;
	[tilespmem:$0x19200] =	vst v63  }
0x2c: {  	_ =	swait.ge [sflag:s21], $0x2800  }
0x2d: {  	[sflag:s21] =	ssyncset.done $0x0  }
0x2e: {  	[sflag:s21] =	ssyncadd.s32 $0xFFFFD800  }
0x2f: {  	[spmem:s3] =	stream.indirect.scatter.add.f32 [tilespmem:s17], [sflag:$0x3], $0x80, s15, s16, $0xb8;
	[tilespmem:$0x19200] =	vst v63  }
0x30: {  	_ =	swait.ge [sflag:s14], $0x2800  }
0x31: {  	[sflag:s14] =	ssyncset.done $0x0  }
0x32: {  	[sflag:s14] =	ssyncadd.s32 $0xFFFFD800  }
0x33: {  	_ =	swait.ge [sflag:s22], $0x2800  }
0x34: {  	[sflag:s22] =	ssyncset.done $0x0  }
0x35: {  	[sflag:s22] =	ssyncadd.s32 $0xFFFFD800  }
0x36: {  	[spmem:s3] =	stream.indirect.scatter.add.f32 [tilespmem:s20], [sflag:$0x3], $0x80, s19, s16, $0xb8;
	[tilespmem:$0x19200] =	vst v63  }
0x37: {  	_ =	swait.ge [sflag:s14], $0x2800  }
0x38: {  	s26 =	simm.s32 $0x28;
	s24 =	simm.s32 $0x14;
	[sflag:s14] =	ssyncset.done $0x0  }
.LBB2_2:
0x39: {  	s28 =	sadd.s32 s24, s12  }
0x3a: {  	[sflag:s14] =	ssyncadd.s32 $0xFFFFD800;
	s29 =	smov.u32 s26;
	s25 =	sadd.s32 $0x14, s26  }
0x3b: {  	[tilespmem:s4], [sflag:$0x3] =	stream.linear.gather [hbm4b:s28+s4], $0x50, $0x38;
	[tilespmem:$0x19200] =	vst v63  }
0x3c: {  	p0 =	sne.s32 s26, $0x4EC;
	_ =	swait.ge [sflag:s14], $0x50  }
0x3d: {  	[sflag:s14] =	ssyncset.done $0x0  }
0x3e: {  	s26 =	sadd.s32 s24, s11;
	[sflag:s14] =	ssyncadd.s32 $0xFFFFFFB0  }
0x3f: {  	[tilespmem:s15], [sflag:$0x3] =	stream.linear.gather [hbm4b:s26+s4], $0x50, $0x38;
	[tilespmem:$0x19200] =	vst v63  }
0x40: {  	_ =	swait.ge [sflag:s14], $0x50  }
0x41: {  	[sflag:s14] =	ssyncset.done $0x0  }
0x42: {  	[sflag:s14] =	ssyncadd.s32 $0xFFFFFFB0  }
0x43: {  	[tilespmem:s17], [sflag:$0x1] =	stream.indirect.gather [hbm4b:s1+s16], $0x80, s4, s16, $0xb8;
	[tilespmem:$0x19200] =	vst v63  }
0x44: {  	s26 =	sadd.s32 s24, s10  }
0x45: {  	[tilespmem:s18], [sflag:$0x3] =	stream.linear.gather [hbm4b:s26+s4], $0x50, $0x38;
	[tilespmem:$0x19200] =	vst v63  }
0x46: {  	_ =	swait.ge [sflag:s14], $0x50  }
0x47: {  	[sflag:s14] =	ssyncset.done $0x0  }
0x48: {  	s26 =	sadd.s32 s24, s9;
	s24 =	smov.u32 s29;
	[sflag:s14] =	ssyncadd.s32 $0xFFFFFFB0  }
0x49: {  	[tilespmem:s19], [sflag:$0x3] =	stream.linear.gather [hbm4b:s26+s4], $0x50, $0x38;
	[tilespmem:$0x19200] =	vst v63  }
0x4a: {  	_ =	swait.ge [sflag:s14], $0x50  }
0x4b: {  	[sflag:s14] =	ssyncset.done $0x0  }
0x4c: {  	[sflag:s14] =	ssyncadd.s32 $0xFFFFFFB0  }
0x4d: {  	[tilespmem:s20], [sflag:$0x2] =	stream.indirect.gather [hbm4b:s1+s16], $0x80, s18, s16, $0xb8;
	[tilespmem:$0x19200] =	vst v63  }
0x4e: {  	_ =	swait.ge [sflag:s21], $0x2800  }
0x4f: {  	[sflag:s21] =	ssyncset.done $0x0  }
0x50: {  	[sflag:s21] =	ssyncadd.s32 $0xFFFFD800  }
0x51: {  	[spmem:s3] =	stream.indirect.scatter.add.f32 [tilespmem:s17], [sflag:$0x3], $0x80, s15, s16, $0xb8;
	[tilespmem:$0x19200] =	vst v63  }
0x52: {  	_ =	swait.ge [sflag:s14], $0x2800  }
0x53: {  	[sflag:s14] =	ssyncset.done $0x0  }
0x54: {  	[sflag:s14] =	ssyncadd.s32 $0xFFFFD800  }
0x55: {  	_ =	swait.ge [sflag:s22], $0x2800  }
.Ltmp0:
0x56: {  	[sflag:s22] =	ssyncset.done $0x0;
	(pc) =	sbr.rel @p0 .LBB2_2-.Ltmp0, $4  }
0x57: {  	[sflag:s22] =	ssyncadd.s32 $0xFFFFD800  }
0x58: {  	[spmem:s3] =	stream.indirect.scatter.add.f32 [tilespmem:s20], [sflag:$0x3], $0x80, s19, s16, $0xb8;
	[tilespmem:$0x19200] =	vst v63  }
0x59: {  	_ =	swait.ge [sflag:s14], $0x2800  }
0x5a: {  	s26 =	smov.u32 s25;
	[sflag:s14] =	ssyncset.done $0x0  }
0x5b: {  	s25 =	sadd.s32 s24, s12;
	[sflag:s14] =	ssyncadd.s32 $0xFFFFD800  }
0x5c: {  	[tilespmem:s4], [sflag:$0x3] =	stream.linear.gather [hbm4b:s25+s4], $0x50, $0x38;
	[tilespmem:$0x19200] =	vst v63  }
0x5d: {  	_ =	swait.ge [sflag:s14], $0x50  }
0x5e: {  	[sflag:s14] =	ssyncset.done $0x0  }
0x5f: {  	s29 =	sadd.s32 s24, s11;
	[sflag:s14] =	ssyncadd.s32 $0xFFFFFFB0  }
0x60: {  	[tilespmem:s15], [sflag:$0x3] =	stream.linear.gather [hbm4b:s29+s4], $0x50, $0x38;
	[tilespmem:$0x19200] =	vst v63  }
0x61: {  	_ =	swait.ge [sflag:s14], $0x50  }
0x62: {  	[sflag:s14] =	ssyncset.done $0x0  }
0x63: {  	[sflag:s14] =	ssyncadd.s32 $0xFFFFFFB0  }
0x64: {  	[tilespmem:s17], [sflag:$0x1] =	stream.indirect.gather [hbm4b:s1+s16], $0x80, s4, s16, $0xb8;
	[tilespmem:$0x19200] =	vst v63  }
0x65: {  	s30 =	sadd.s32 s24, s10  }
0x66: {  	[tilespmem:s18], [sflag:$0x3] =	stream.linear.gather [hbm4b:s30+s4], $0x50, $0x38;
	[tilespmem:$0x19200] =	vst v63  }
0x67: {  	_ =	swait.ge [sflag:s14], $0x50  }
0x68: {  	[sflag:s14] =	ssyncset.done $0x0  }
0x69: {  	s31 =	sadd.s32 s24, s9;
	[sflag:s14] =	ssyncadd.s32 $0xFFFFFFB0  }
0x6a: {  	[tilespmem:s19], [sflag:$0x3] =	stream.linear.gather [hbm4b:s31+s4], $0x50, $0x38;
	[tilespmem:$0x19200] =	vst v63  }
0x6b: {  	_ =	swait.ge [sflag:s14], $0x50  }
0x6c: {  	[sflag:s14] =	ssyncset.done $0x0  }
0x6d: {  	[sflag:s14] =	ssyncadd.s32 $0xFFFFFFB0  }
0x6e: {  	[tilespmem:s20], [sflag:$0x2] =	stream.indirect.gather [hbm4b:s1+s16], $0x80, s18, s16, $0xb8;
	[tilespmem:$0x19200] =	vst v63  }
0x6f: {  	_ =	swait.ge [sflag:s21], $0x2800  }
0x70: {  	[sflag:s21] =	ssyncset.done $0x0  }
0x71: {  	[sflag:s21] =	ssyncadd.s32 $0xFFFFD800  }
0x72: {  	[spmem:s3] =	stream.indirect.scatter.add.f32 [tilespmem:s17], [sflag:$0x3], $0x80, s15, s16, $0xb8;
	[tilespmem:$0x19200] =	vst v63  }
0x73: {  	_ =	swait.ge [sflag:s14], $0x2800  }
0x74: {  	[sflag:s14] =	ssyncset.done $0x0  }
0x75: {  	[sflag:s14] =	ssyncadd.s32 $0xFFFFD800  }
0x76: {  	_ =	swait.ge [sflag:s22], $0x2800  }
0x77: {  	[sflag:s22] =	ssyncset.done $0x0  }
0x78: {  	[sflag:s22] =	ssyncadd.s32 $0xFFFFD800  }
0x79: {  	[spmem:s3] =	stream.indirect.scatter.add.f32 [tilespmem:s20], [sflag:$0x3], $0x80, s19, s16, $0xb8;
	[tilespmem:$0x19200] =	vst v63  }
0x7a: {  	_ =	swait.ge [sflag:s14], $0x2800  }
0x7b: {  	s23 =	sadd.s32 $0x1, s23;
	[sflag:s14] =	ssyncset.done $0x0  }
0x7c: {  	p0 =	sne.s32 s23, s8;
	[sflag:s14] =	ssyncadd.s32 $0xFFFFD800  }
.Ltmp1:
0x7d: {  	[bflag:$0x0] =	sbarrier.arrive $0xFFFF;
	(pc) =	sbr.rel @p0 .LBB2_1-.Ltmp1, $4  }
0x7e: {  	[hbm:s7], [sflag:s6] =	dma.local [spmem:s13], $0x2800  }
0x7f: {  	_ =	swait.ge [sflag:s14], $0x2800  }
0x80: {  	[sflag:s14] =	ssyncset.done $0x0  }
0x81: {  	[sflag:s14] =	ssyncadd.s32 $0xFFFFD800  }
0x82: {  	_ =	sfence.sel $0x180000  }
0x83: {  	[bflag:$0x0] =	sbarrier.arrive $0xFFFF  }
0x84: {  	p0 =	sne.s32 s2, $0x0;
	_ =	strace $0x9000004A  }
0x85: {  	s0 =	sadd.s32 @!p0 $0x100000, s0;
	[bflag:$0x2] =	sbarrier.arrive $0xFFFF  }
0x86: {  	[sflag:s0] =	ssyncadd.tile.s32 @!p0 $0x1;
	_ =	shalt  }
.Lfunc_end2:
_tile_overlayer_lowered:
.L_overlay_start_2:
0x87: {  	(tag) =	ssettag $0x2  }
0x88: {  	s0 =	rddreg [dreg:$0x0];
	s2 =	stileid.u32  }
0x89: {  	s1 =	rddreg [dreg:$0x1];
	p0 =	sne.s32 s2, $0x0  }
0x8a: {  	s3 =	rddreg [dreg:$0x2];
	[bflag:$0x3] =	sbarrier.arrive $0xFFFF;
	s2 =	simm.s32 @!p0 $0x1C03  }
0x8b: {  	[timem:s3], [sflag:s2] =	dma.local @!p0 [hbm:s0], s1  }
0x8c: {  	s0 =	simm.s32 @!p0 $0x3  }
0x8d: {  	_ =	swait.ge @!p0 [sflag:s0], s1  }
0x8e: {  	s1 =	ssub.s32 @!p0 $0x0, s1;
	[sflag:s0] =	ssyncset.done @!p0 $0x0  }
0x8f: {  	[sflag:s0] =	ssyncadd.s32 @!p0 s1  }
0x90: {  	[bflag:$0x3] =	sbarrier.arrive $0xFFFF  }
0x91: {  	_ =	shalt  }

// kernel: kernel.16.cloned.1.call-start
scs
__scs_entry_jumppad:
0x0: {  	(pc) =	sbr.rel $0x88, $3  }
0x1: {  	(tag) =	ssettag $0x0;
	lr =	simm.s32 $0x1  }
0x2: {  	[smem:$0x3F99] =	sst lr;
	_ =	strace $0xD0000000  }
0x3: {  	_ = 	snop  }
0x4: {  	_ = 	snop  }
0x5: {  	_ = 	snop  }
0x6: {  	_ = 	snop  }
0x7: {  	_ = 	snop  }
__scs_overlays_trampoline_lowered:
0x8: {  	[smem:$0x3FA8] =	sst s0  }
0x9: {  	[smem:$0x3FA9] =	sst s1  }
0xa: {  	[smem:$0x3FAA] =	sst s2  }
0xb: {  	[smem:$0x3FAB] =	sst s3  }
0xc: {  	[smem:$0x3FAC] =	sst s4  }
0xd: {  	[smem:$0x3FAD] =	sst s5  }
0xe: {  	[smem:$0x3FAE] =	sst s6  }
0xf: {  	[smem:$0x3FAF] =	sst s7  }
0x10: {  	[smem:$0x3FB0] =	sst s8  }
0x11: {  	[smem:$0x3FB1] =	sst s9;
	s0 =	simm.s32 @!p0 $0x0  }
0x12: {  	s1 =	sld [smem:$0x3F97];
	s0 =	simm.s32 @p0 $0x1  }
0x13: {  	[smem:$0x3FB2] =	sst s0;
	s0 =	simm.s32 @!p1 $0x0  }
0x14: {  	s2 =	sld [smem:$0x3F96];
	s0 =	simm.s32 @p1 $0x1  }
0x15: {  	[smem:$0x3FB3] =	sst s0;
	s0 =	simm.s32 @!p2 $0x0  }
0x16: {  	s3 =	sld [smem:$0x3FDB];
	s0 =	simm.s32 @p2 $0x1  }
0x17: {  	s4 =	simm.s32 $0x1BF5;
	[smem:$0x3FB5] =	sst s0  }
0x18: {  	s0 =	sld [smem:$0x3F98];
	_ =	swait.ge [sflag:s4], $0x0  }
0x19: {  	s7 =	sld [smem:$0x3F99]  }
0x1a: {  	s8 =	sadd.s32 $0xFFFFE003, lr  }
0x1b: {  	s9 =	sadd.s32 $0xFFFFFEF7, lr;
	s5 =	simm.s32 $0xFFFFFFFF;
	p2 =	slt.u32 s8, $0xFFFFF086  }
0x1c: {  	p1 =	slt.u32 s9, $0xF7A;
	s5 =	simm.s32 @!p2 $0x0  }
0x1d: {  	s5 =	simm.s32 @p1 $0x1;
	p0 =	seq.s32 s7, s2  }
0x1e: {  	s7 =	smul.u32 @!p0 $0xF7A, s2;
	p2 =	seq.s32 @!p0 s5, $0x0  }
0x1f: {  	s9 =	smul.u32 $0xF7A, s1;
	s8 =	simm.s32 @!p0 $0x1BF5;
	p2 =	por !p2, p0  }
0x20: {  	[sflag:s8] =	ssyncset.s32 @!p0 $0xFFFFF086;
	s6 =	sadd.s32 @!p0 s3, s7;
	s7 =	simm.s32 @!p0 $0x108  }
0x21: {  	s3 =	sadd.s32 s3, s9;
	s6 =	sadd.s32 @!p0 $0x88, s6;
	s7 =	simm.s32 @p2 $0x1082  }
0x22: {  	[simem:s7], [sflag:s8] =	dma.local @!p0 [hbm:s6], $0xF7A  }
0x23: {  	s9 =	sor.u32 $0xD0000000, s2;
	s6 =	simm.s32 $0x108;
	_ =	swait.ge @!p0 [sflag:s8], $0x0  }
0x24: {  	s3 =	sadd.s32 $0x88, s3;
	s6 =	simm.s32 @!p1 $0x1082;
	[sflag:s4] =	ssyncset.s32 $0xFFFFF086  }
0x25: {  	[simem:s6], [sflag:s4] =	dma.local [hbm:s3], $0xF7A  }
0x26: {  	[smem:$0x3F99] =	sst s1;
	(tag) =	ssettag s2;
	_ =	strace s9  }
0x27: {  	s1 =	sld [smem:$0x3FA9]  }
0x28: {  	s2 =	sld [smem:$0x3FAA]  }
0x29: {  	s4 =	sld [smem:$0x3FAC]  }
0x2a: {  	p0 =	seq.s32 s5, $0x0;
	s5 =	sld [smem:$0x3FAD]  }
0x2b: {  	s6 =	sld [smem:$0x3FAE]  }
0x2c: {  	s7 =	sld [smem:$0x3FAF]  }
0x2d: {  	s3 =	simm.s32 $0x108;
	s8 =	sld [smem:$0x3FB0]  }
0x2e: {  	s3 =	simm.s32 @!p0 $0x1082;
	s9 =	sld [smem:$0x3FB1]  }
0x2f: {  	lr =	sadd.s32 s0, s3;
	s0 =	sld [smem:$0x3FA8]  }
0x30: {  	s3 =	sld [smem:$0x3FAB]  }
0x31: {  	[smem:$0x3FB4] =	sst s10  }
0x32: {  	s10 =	sld [smem:$0x3FB2];
	_ =	sdelay $0x3  }
0x33: {  	p0 =	seq.s32 s10, $0x1;
	s10 =	sld [smem:$0x3FB4];
	_ =	sdelay $0x3  }
0x34: {  	[smem:$0x3FB4] =	sst s10  }
0x35: {  	s10 =	sld [smem:$0x3FB3];
	_ =	sdelay $0x3  }
0x36: {  	p1 =	seq.s32 s10, $0x1;
	s10 =	sld [smem:$0x3FB4];
	_ =	sdelay $0x3  }
0x37: {  	[smem:$0x3FB4] =	sst s10  }
0x38: {  	s10 =	sld [smem:$0x3FB5]  }
0x39: {  	_ = 	snop;
	(pc) =	sbr.ind lr, $3  }
0x3a: {  	_ = 	snop  }
0x3b: {  	_ = 	snop  }
0x3c: {  	p2 =	seq.s32 s10, $0x1;
	s10 =	sld [smem:$0x3FB4]  }
0x3d: {  	_ =	shalt  }
0x3e: {  	_ =	shalt  }
0x3f: {  	_ =	shalt  }
0x40: {  	_ =	shalt  }
0x41: {  	_ =	shalt  }
0x42: {  	_ =	shalt  }
0x43: {  	_ =	shalt  }
0x44: {  	_ =	shalt  }
0x45: {  	_ =	shalt  }
0x46: {  	_ =	shalt  }
0x47: {  	_ =	shalt  }
0x48: {  	_ =	shalt  }
0x49: {  	_ =	shalt  }
0x4a: {  	_ =	shalt  }
0x4b: {  	_ =	shalt  }
0x4c: {  	_ =	shalt  }
0x4d: {  	_ =	shalt  }
0x4e: {  	_ =	shalt  }
0x4f: {  	_ =	shalt  }
0x50: {  	_ =	shalt  }
0x51: {  	_ =	shalt  }
0x52: {  	_ =	shalt  }
0x53: {  	_ =	shalt  }
0x54: {  	_ =	shalt  }
0x55: {  	_ =	shalt  }
0x56: {  	_ =	shalt  }
0x57: {  	_ =	shalt  }
0x58: {  	_ =	shalt  }
0x59: {  	_ =	shalt  }
0x5a: {  	_ =	shalt  }
0x5b: {  	_ =	shalt  }
0x5c: {  	_ =	shalt  }
0x5d: {  	_ =	shalt  }
0x5e: {  	_ =	shalt  }
0x5f: {  	_ =	shalt  }
0x60: {  	_ =	shalt  }
0x61: {  	_ =	shalt  }
0x62: {  	_ =	shalt  }
0x63: {  	_ =	shalt  }
0x64: {  	_ =	shalt  }
0x65: {  	_ =	shalt  }
0x66: {  	_ =	shalt  }
0x67: {  	_ =	shalt  }
0x68: {  	_ =	shalt  }
0x69: {  	_ =	shalt  }
0x6a: {  	_ =	shalt  }
0x6b: {  	_ =	shalt  }
0x6c: {  	_ =	shalt  }
0x6d: {  	_ =	shalt  }
0x6e: {  	_ =	shalt  }
0x6f: {  	_ =	shalt  }
0x70: {  	_ =	shalt  }
0x71: {  	_ =	shalt  }
0x72: {  	_ =	shalt  }
0x73: {  	_ =	shalt  }
0x74: {  	_ =	shalt  }
0x75: {  	_ =	shalt  }
0x76: {  	_ =	shalt  }
0x77: {  	_ =	shalt  }
0x78: {  	_ =	shalt  }
0x79: {  	_ =	shalt  }
0x7a: {  	_ =	shalt  }
0x7b: {  	_ =	shalt  }
0x7c: {  	_ =	shalt  }
0x7d: {  	_ =	shalt  }
0x7e: {  	_ =	shalt  }
0x7f: {  	_ =	shalt  }
0x80: {  	_ =	shalt  }
0x81: {  	_ =	shalt  }
0x82: {  	_ =	shalt  }
0x83: {  	_ =	shalt  }
0x84: {  	_ =	shalt  }
0x85: {  	_ =	shalt  }
0x86: {  	_ =	shalt  }
0x87: {  	_ =	shalt  }
.Lfunc_end0:
.L_simem_size_0:
called_computation.2_lowered:
.L_overlay_start_0:
0x88: {  	s2 =	sld [smem:$0x3FD9]  }
0x89: {  	s3 =	sld [smem:$0x3FFE];
	_ =	sdelay $0x1  }
0x8a: {  	s1 =	srdreg.scid  }
0x8b: {  	s0 =	sand.u32 $0x1, s1  }
0x8c: {  	s17 =	sshll.u32 s0, $0xA;
	s2 =	sadd.s32 s3, s2  }
0x8d: {  	s2 =	sadd.s32 s2, s17  }
0x8e: {  	[smem:$0x3FC0] =	sst s2  }
0x8f: {  	_ = 	snop  }
0x90: {  	s2 =	sld [smem:$0x3FD0];
	(tm) =	ssettm $0x1  }
0x91: {  	s18 =	sld [smem:$0x3FFB];
	_ =	sdelay $0x3  }
0x92: {  	_ =	strace s18  }
0x93: {  	s3 =	sld [smem:$0x3FFC];
	_ =	sdelay $0x3  }
0x94: {  	_ =	strace s3  }
0x95: {  	s3 =	sld [smem:$0x3FFD];
	_ =	sdelay $0x3  }
0x96: {  	_ =	strace s3  }
0x97: {  	_ =	strace $0x8FFFFFFF  }
0x98: {  	s19 =	sld [smem:$0x3FDB];
	_ =	sdelay $0x1  }
0x99: {  	s4 =	simm.s32 $_scs_section_size  }
0x9a: {  	s5 =	simm.s32 $_size__tile_overlayer_lowered;
	s6 =	simm.s32 $_tile_overlayer_lowered  }
0x9b: {  	s22 =	simm.s32 $0x1BFF;
	s21 =	sshll.u32 s6, $0x1;
	s3 =	sadd.s32 s4, s19  }
0x9c: {  	s7 =	simm.s32 $0x0;
	s20 =	sshll.u32 s5, $0x1;
	s5 =	sadd.s32 s21, s3  }
0x9d: {  	[timem:s7], [sflag:s22] =	dma.local [hbm:s5], s20  }
0x9e: {  	_ =	swait.ge [sflag:s22], s20  }
0x9f: {  	s4 =	ssub.s32 $0x0, s20;
	[sflag:s22] =	ssyncset.done $0x0  }
0xa0: {  	[sflag:s22] =	ssyncadd.s32 s4;
	_ =	sdelay $0x1  }
0xa1: {  	s23 =	simm.s32 $0x1B8B  }
0xa2: {  	_ =	swait.ge [sflag:s23], $0x1  }
0xa3: {  	[sflag:s23] =	ssyncset.done $0x0  }
0xa4: {  	s25 =	simm.s32 $0x1B8E;
	s24 =	sld [smem:$0x3FFE];
	[sflag:s23] =	ssyncadd.s32 $0xFFFFFFFF  }
0xa5: {  	s26 =	simm.s32 $execute0_lowered;
	[smem:$0x3FD2] =	sst s25  }
0xa6: {  	s5 =	sshll.u32 s26, $0x1;
	_ =	strace $0x8000004C;
	[dreg:$0x1] =	wrdreg $0xFFFFFFFF  }
0xa7: {  	s28 =	simm.s32 $_size_execute0_lowered;
	s3 =	sadd.s32 s3, s5;
	[dreg:$0x0] =	wrdreg $0x0  }
0xa8: {  	s5 =	sshll.u32 s28, $0x1;
	[dreg:$0x2] =	wrdreg s3  }
0xa9: {  	[dreg:$0x3] =	wrdreg s5  }
0xaa: {  	[dreg:$0x4] =	wrdreg $0xC0  }
0xab: {  	_ =	task [dreg:s7], $0x5FFFF  }
0xac: {  	[dreg:$0x1] =	wrdreg $0xFFFFFFFF  }
0xad: {  	[dreg:$0x0] =	wrdreg $0x60  }
0xae: {  	[dreg:$0x2] =	wrdreg s2  }
0xaf: {  	[dreg:$0x3] =	wrdreg s24  }
0xb0: {  	[dreg:$0x4] =	wrdreg $0x52000  }
0xb1: {  	[dreg:$0x5] =	wrdreg $0x9  }
0xb2: {  	_ =	task.clear_ibuf [dreg:s7], $0x6FFFF;
	_ =	strace $0x9000004C  }
0xb3: {  	s29 =	simm.s32 $0x9;
	_ =	strace $0x8000004E  }
0xb4: {  	_ =	swait.ge [sflag:s29], $0x1  }
0xb5: {  	[sflag:s29] =	ssyncadd.s32 $0xFFFFFFFF  }
0xb6: {  	_ =	strace $0x9000004E  }
0xb7: {  	_ =	sfence  }
0xb8: {  	s30 =	sld [smem:$0x0];
	_ =	sdelay $0x2  }
0xb9: {  	s31 =	sshll.u32 s1, $0xD;
	s1 =	sshrl.u32 s1, $0x2  }
0xba: {  	s3 =	sand.u32 $0x4000, s31;
	s1 =	sadd.s32 s1, s30  }
0xbb: {  	s0 =	sor.u32 s3, s0;
	s1 =	sshll.u32 s1, $0x11  }
0xbc: {  	s0 =	sor.u32 s1, s0  }
0xbd: {  	s0 =	sadd.s32 $0x8F2B, s0  }
0xbe: {  	[sflag:s0] =	ssyncadd.remote.s32 $0x1  }
0xbf: {  	_ =	sfence.sel $0xFFFF  }
0xc0: {  	[dreg:$0x0] =	wrdreg $0xFFFFFFFF;
	(pc) =	sbr.abs _section_cstart, $3  }
0xc1: {  	[dreg:$0x1] =	wrdreg $0xFFFFFFFF  }
0xc2: {  	_ =	task.clear_ibuf [dreg:s7], $0x2FFFF;
	_ =	strace $0x9FFFFFFF  }
0xc3: {  	(tm) =	ssettm $0x7FFFFFFF  }
tec
execute0_lowered:
.L_overlay_start_1:
0x0: {  	(tag) =	ssettag $0x1  }
0x1: {  	s1 =	rddreg [dreg:$0x0]  }
0x2: {  	s5 =	rddreg [dreg:$0x1]  }
0x3: {  	s3 =	rddreg [dreg:$0x2]  }
0x4: {  	s0 =	rddreg [dreg:$0x3];
	s4 =	simm.s32 $0x0;
	s2 =	stileid.u32  }
0x5: {  	s6 =	srdreg.scid;
	s15 =	simm.s32 $0x80;
	s16 =	simm.s32 $0x50  }
0x6: {  	s17 =	simm.s32 $0x200;
	s18 =	simm.s32 $0x100;
	s19 =	simm.s32 $0x180  }
0x7: {  	s20 =	simm.s32 $0x2A00;
	s21 =	simm.s32 $0x1;
	s22 =	simm.s32 $0x2  }
0x8: {  	s23 =	simm.s32 $0x0;
	[smem:$0x7FF] =	sst s4;
	s7 =	smul.u32 $0x14000, s2  }
0x9: {  	s6 =	sand.u32 $0x1, s6;
	s12 =	sadd.s32 $0x8E800, s5;
	s25 =	smul.u32 $0x50000, s2  }
0xa: {  	s11 =	sadd.s32 $0x84800, s5;
	s14 =	smul.u32 $0x2800, s2;
	s28 =	sshll.u32 s2, $0x6  }
0xb: {  	_ =	strace $0x8000004D;
	s8 =	smul.u32 $0x140000, s6;
	s10 =	ssub.s32 $0x2, s6  }
0xc: {  	s6 =	smul.u32 $0x28000, s6;
	s9 =	sshrl.u32 s7, $0x3;
	s13 =	sshrl.u32 s10, $0x1  }
0xd: {  	s9 =	sadd.s32 s9, s5;
	s7 =	sadd.s32 s7, s8;
	s8 =	sshrl.u32 s25, $0x2  }
0xe: {  	s10 =	ssub.s32 s10, s13;
	s29 =	sadd.s32 s14, s6;
	s6 =	sor.u32 $0x1C03, s28  }
0xf: {  	s7 =	sshrl.u32 s7, $0x3;
	s26 =	sadd.s32 s8, s3;
	s14 =	sor.u32 $0x50, s29  }
0x10: {  	s8 =	smax.u32 s10, $0x1;
	s31 =	sshrl.u32 s29, $0x3;
	s7 =	sadd.s32 s7, s5  }
0x11: {  	s5 =	sadd.s32 $0xC800, s9;
	s30 =	sshrl.u32 s14, $0x3;
	s13 =	sshrl.u32 s26, $0x3  }
0x12: {  	s14 =	simm.s32 $0x3;
	s7 =	sadd.s32 $0x34800, s7;
	s9 =	sadd.s32 s30, s11  }
0x13: {  	s10 =	sadd.s32 s30, s12;
	s11 =	sadd.s32 s31, s11;
	s12 =	sadd.s32 s31, s12  }
.LBB2_1:
0x14: {  	[spmem:s13], [sflag:s6] =	dma.local [hbm:s5], $0x2800  }
0x15: {  	_ =	swait.ge [sflag:s14], $0x2800  }
0x16: {  	[sflag:s14] =	ssyncset.done $0x0  }
0x17: {  	[sflag:s14] =	ssyncadd.s32 $0xFFFFD800  }
0x18: {  	s24 =	sadd.s32 $0x0, s12;
	[bflag:$0x0] =	sbarrier.arrive $0xFFFF  }
0x19: {  	[tilespmem:s4], [sflag:$0x3] =	stream.linear.gather [hbm4b:s24+s4], $0x50, $0x38;
	[tilespmem:$0x19200] =	vst v63  }
0x1a: {  	_ =	swait.ge [sflag:s14], $0x50  }
0x1b: {  	[sflag:s14] =	ssyncset.done $0x0  }
0x1c: {  	s29 =	sadd.s32 $0x0, s11;
	[sflag:s14] =	ssyncadd.s32 $0xFFFFFFB0  }
0x1d: {  	[tilespmem:s15], [sflag:$0x3] =	stream.linear.gather [hbm4b:s29+s4], $0x50, $0x38;
	[tilespmem:$0x19200] =	vst v63  }
0x1e: {  	_ =	swait.ge [sflag:s14], $0x50  }
0x1f: {  	[sflag:s14] =	ssyncset.done $0x0  }
0x20: {  	[sflag:s14] =	ssyncadd.s32 $0xFFFFFFB0  }
0x21: {  	[tilespmem:s17], [sflag:$0x1] =	stream.indirect.gather [hbm4b:s1+s16], $0x80, s4, s16, $0xb8;
	[tilespmem:$0x19200] =	vst v63  }
0x22: {  	s30 =	sadd.s32 $0x0, s10  }
0x23: {  	[tilespmem:s18], [sflag:$0x3] =	stream.linear.gather [hbm4b:s30+s4], $0x50, $0x38;
	[tilespmem:$0x19200] =	vst v63  }
0x24: {  	_ =	swait.ge [sflag:s14], $0x50  }
0x25: {  	[sflag:s14] =	ssyncset.done $0x0  }
0x26: {  	s31 =	sadd.s32 $0x0, s9;
	[sflag:s14] =	ssyncadd.s32 $0xFFFFFFB0  }
0x27: {  	[tilespmem:s19], [sflag:$0x3] =	stream.linear.gather [hbm4b:s31+s4], $0x50, $0x38;
	[tilespmem:$0x19200] =	vst v63  }
0x28: {  	_ =	swait.ge [sflag:s14], $0x50  }
0x29: {  	[sflag:s14] =	ssyncset.done $0x0  }
0x2a: {  	[sflag:s14] =	ssyncadd.s32 $0xFFFFFFB0  }
0x2b: {  	[tilespmem:s20], [sflag:$0x2] =	stream.indirect.gather [hbm4b:s1+s16], $0x80, s18, s16, $0xb8;
	[tilespmem:$0x19200] =	vst v63  }
0x2c: {  	_ =	swait.ge [sflag:s21], $0x2800  }
0x2d: {  	[sflag:s21] =	ssyncset.done $0x0  }
0x2e: {  	[sflag:s21] =	ssyncadd.s32 $0xFFFFD800  }
0x2f: {  	[spmem:s3] =	stream.indirect.scatter.add.f32 [tilespmem:s17], [sflag:$0x3], $0x80, s15, s16, $0xb8;
	[tilespmem:$0x19200] =	vst v63  }
0x30: {  	_ =	swait.ge [sflag:s14], $0x2800  }
0x31: {  	[sflag:s14] =	ssyncset.done $0x0  }
0x32: {  	[sflag:s14] =	ssyncadd.s32 $0xFFFFD800  }
0x33: {  	_ =	swait.ge [sflag:s22], $0x2800  }
0x34: {  	[sflag:s22] =	ssyncset.done $0x0  }
0x35: {  	[sflag:s22] =	ssyncadd.s32 $0xFFFFD800  }
0x36: {  	[spmem:s3] =	stream.indirect.scatter.add.f32 [tilespmem:s20], [sflag:$0x3], $0x80, s19, s16, $0xb8;
	[tilespmem:$0x19200] =	vst v63  }
0x37: {  	_ =	swait.ge [sflag:s14], $0x2800  }
0x38: {  	s26 =	simm.s32 $0x28;
	s24 =	simm.s32 $0x14;
	[sflag:s14] =	ssyncset.done $0x0  }
.LBB2_2:
0x39: {  	s28 =	sadd.s32 s24, s12  }
0x3a: {  	[sflag:s14] =	ssyncadd.s32 $0xFFFFD800;
	s29 =	smov.u32 s26;
	s25 =	sadd.s32 $0x14, s26  }
0x3b: {  	[tilespmem:s4], [sflag:$0x3] =	stream.linear.gather [hbm4b:s28+s4], $0x50, $0x38;
	[tilespmem:$0x19200] =	vst v63  }
0x3c: {  	p0 =	sne.s32 s26, $0x4EC;
	_ =	swait.ge [sflag:s14], $0x50  }
0x3d: {  	[sflag:s14] =	ssyncset.done $0x0  }
0x3e: {  	s26 =	sadd.s32 s24, s11;
	[sflag:s14] =	ssyncadd.s32 $0xFFFFFFB0  }
0x3f: {  	[tilespmem:s15], [sflag:$0x3] =	stream.linear.gather [hbm4b:s26+s4], $0x50, $0x38;
	[tilespmem:$0x19200] =	vst v63  }
0x40: {  	_ =	swait.ge [sflag:s14], $0x50  }
0x41: {  	[sflag:s14] =	ssyncset.done $0x0  }
0x42: {  	[sflag:s14] =	ssyncadd.s32 $0xFFFFFFB0  }
0x43: {  	[tilespmem:s17], [sflag:$0x1] =	stream.indirect.gather [hbm4b:s1+s16], $0x80, s4, s16, $0xb8;
	[tilespmem:$0x19200] =	vst v63  }
0x44: {  	s26 =	sadd.s32 s24, s10  }
0x45: {  	[tilespmem:s18], [sflag:$0x3] =	stream.linear.gather [hbm4b:s26+s4], $0x50, $0x38;
	[tilespmem:$0x19200] =	vst v63  }
0x46: {  	_ =	swait.ge [sflag:s14], $0x50  }
0x47: {  	[sflag:s14] =	ssyncset.done $0x0  }
0x48: {  	s26 =	sadd.s32 s24, s9;
	s24 =	smov.u32 s29;
	[sflag:s14] =	ssyncadd.s32 $0xFFFFFFB0  }
0x49: {  	[tilespmem:s19], [sflag:$0x3] =	stream.linear.gather [hbm4b:s26+s4], $0x50, $0x38;
	[tilespmem:$0x19200] =	vst v63  }
0x4a: {  	_ =	swait.ge [sflag:s14], $0x50  }
0x4b: {  	[sflag:s14] =	ssyncset.done $0x0  }
0x4c: {  	[sflag:s14] =	ssyncadd.s32 $0xFFFFFFB0  }
0x4d: {  	[tilespmem:s20], [sflag:$0x2] =	stream.indirect.gather [hbm4b:s1+s16], $0x80, s18, s16, $0xb8;
	[tilespmem:$0x19200] =	vst v63  }
0x4e: {  	_ =	swait.ge [sflag:s21], $0x2800  }
0x4f: {  	[sflag:s21] =	ssyncset.done $0x0  }
0x50: {  	[sflag:s21] =	ssyncadd.s32 $0xFFFFD800  }
0x51: {  	[spmem:s3] =	stream.indirect.scatter.add.f32 [tilespmem:s17], [sflag:$0x3], $0x80, s15, s16, $0xb8;
	[tilespmem:$0x19200] =	vst v63  }
0x52: {  	_ =	swait.ge [sflag:s14], $0x2800  }
0x53: {  	[sflag:s14] =	ssyncset.done $0x0  }
0x54: {  	[sflag:s14] =	ssyncadd.s32 $0xFFFFD800  }
0x55: {  	_ =	swait.ge [sflag:s22], $0x2800  }
.Ltmp0:
0x56: {  	[sflag:s22] =	ssyncset.done $0x0;
	(pc) =	sbr.rel @p0 .LBB2_2-.Ltmp0, $4  }
0x57: {  	[sflag:s22] =	ssyncadd.s32 $0xFFFFD800  }
0x58: {  	[spmem:s3] =	stream.indirect.scatter.add.f32 [tilespmem:s20], [sflag:$0x3], $0x80, s19, s16, $0xb8;
	[tilespmem:$0x19200] =	vst v63  }
0x59: {  	_ =	swait.ge [sflag:s14], $0x2800  }
0x5a: {  	s26 =	smov.u32 s25;
	[sflag:s14] =	ssyncset.done $0x0  }
0x5b: {  	s25 =	sadd.s32 s24, s12;
	[sflag:s14] =	ssyncadd.s32 $0xFFFFD800  }
0x5c: {  	[tilespmem:s4], [sflag:$0x3] =	stream.linear.gather [hbm4b:s25+s4], $0x50, $0x38;
	[tilespmem:$0x19200] =	vst v63  }
0x5d: {  	_ =	swait.ge [sflag:s14], $0x50  }
0x5e: {  	[sflag:s14] =	ssyncset.done $0x0  }
0x5f: {  	s29 =	sadd.s32 s24, s11;
	[sflag:s14] =	ssyncadd.s32 $0xFFFFFFB0  }
0x60: {  	[tilespmem:s15], [sflag:$0x3] =	stream.linear.gather [hbm4b:s29+s4], $0x50, $0x38;
	[tilespmem:$0x19200] =	vst v63  }
0x61: {  	_ =	swait.ge [sflag:s14], $0x50  }
0x62: {  	[sflag:s14] =	ssyncset.done $0x0  }
0x63: {  	[sflag:s14] =	ssyncadd.s32 $0xFFFFFFB0  }
0x64: {  	[tilespmem:s17], [sflag:$0x1] =	stream.indirect.gather [hbm4b:s1+s16], $0x80, s4, s16, $0xb8;
	[tilespmem:$0x19200] =	vst v63  }
0x65: {  	s30 =	sadd.s32 s24, s10  }
0x66: {  	[tilespmem:s18], [sflag:$0x3] =	stream.linear.gather [hbm4b:s30+s4], $0x50, $0x38;
	[tilespmem:$0x19200] =	vst v63  }
0x67: {  	_ =	swait.ge [sflag:s14], $0x50  }
0x68: {  	[sflag:s14] =	ssyncset.done $0x0  }
0x69: {  	s31 =	sadd.s32 s24, s9;
	[sflag:s14] =	ssyncadd.s32 $0xFFFFFFB0  }
0x6a: {  	[tilespmem:s19], [sflag:$0x3] =	stream.linear.gather [hbm4b:s31+s4], $0x50, $0x38;
	[tilespmem:$0x19200] =	vst v63  }
0x6b: {  	_ =	swait.ge [sflag:s14], $0x50  }
0x6c: {  	[sflag:s14] =	ssyncset.done $0x0  }
0x6d: {  	[sflag:s14] =	ssyncadd.s32 $0xFFFFFFB0  }
0x6e: {  	[tilespmem:s20], [sflag:$0x2] =	stream.indirect.gather [hbm4b:s1+s16], $0x80, s18, s16, $0xb8;
	[tilespmem:$0x19200] =	vst v63  }
0x6f: {  	_ =	swait.ge [sflag:s21], $0x2800  }
0x70: {  	[sflag:s21] =	ssyncset.done $0x0  }
0x71: {  	[sflag:s21] =	ssyncadd.s32 $0xFFFFD800  }
0x72: {  	[spmem:s3] =	stream.indirect.scatter.add.f32 [tilespmem:s17], [sflag:$0x3], $0x80, s15, s16, $0xb8;
	[tilespmem:$0x19200] =	vst v63  }
0x73: {  	_ =	swait.ge [sflag:s14], $0x2800  }
0x74: {  	[sflag:s14] =	ssyncset.done $0x0  }
0x75: {  	[sflag:s14] =	ssyncadd.s32 $0xFFFFD800  }
0x76: {  	_ =	swait.ge [sflag:s22], $0x2800  }
0x77: {  	[sflag:s22] =	ssyncset.done $0x0  }
0x78: {  	[sflag:s22] =	ssyncadd.s32 $0xFFFFD800  }
0x79: {  	[spmem:s3] =	stream.indirect.scatter.add.f32 [tilespmem:s20], [sflag:$0x3], $0x80, s19, s16, $0xb8;
	[tilespmem:$0x19200] =	vst v63  }
0x7a: {  	_ =	swait.ge [sflag:s14], $0x2800  }
0x7b: {  	s23 =	sadd.s32 $0x1, s23;
	[sflag:s14] =	ssyncset.done $0x0  }
0x7c: {  	p0 =	sne.s32 s23, s8;
	[sflag:s14] =	ssyncadd.s32 $0xFFFFD800  }
.Ltmp1:
0x7d: {  	[bflag:$0x0] =	sbarrier.arrive $0xFFFF;
	(pc) =	sbr.rel @p0 .LBB2_1-.Ltmp1, $4  }
0x7e: {  	[hbm:s7], [sflag:s6] =	dma.local [spmem:s13], $0x2800  }
0x7f: {  	_ =	swait.ge [sflag:s14], $0x2800  }
0x80: {  	[sflag:s14] =	ssyncset.done $0x0  }
0x81: {  	[sflag:s14] =	ssyncadd.s32 $0xFFFFD800  }
0x82: {  	_ =	sfence.sel $0x180000  }
0x83: {  	[bflag:$0x0] =	sbarrier.arrive $0xFFFF  }
0x84: {  	p0 =	sne.s32 s2, $0x0;
	_ =	strace $0x9000004D  }
0x85: {  	s0 =	sadd.s32 @!p0 $0x100000, s0;
	[bflag:$0x2] =	sbarrier.arrive $0xFFFF  }
0x86: {  	[sflag:s0] =	ssyncadd.tile.s32 @!p0 $0x1;
	_ =	shalt  }
.Lfunc_end2:
_tile_overlayer_lowered:
.L_overlay_start_2:
0x87: {  	(tag) =	ssettag $0x2  }
0x88: {  	s0 =	rddreg [dreg:$0x0];
	s2 =	stileid.u32  }
0x89: {  	s1 =	rddreg [dreg:$0x1];
	p0 =	sne.s32 s2, $0x0  }
0x8a: {  	s3 =	rddreg [dreg:$0x2];
	[bflag:$0x3] =	sbarrier.arrive $0xFFFF;
	s2 =	simm.s32 @!p0 $0x1C03  }
0x8b: {  	[timem:s3], [sflag:s2] =	dma.local @!p0 [hbm:s0], s1  }
0x8c: {  	s0 =	simm.s32 @!p0 $0x3  }
0x8d: {  	_ =	swait.ge @!p0 [sflag:s0], s1  }
0x8e: {  	s1 =	ssub.s32 @!p0 $0x0, s1;
	[sflag:s0] =	ssyncset.done @!p0 $0x0  }
0x8f: {  	[sflag:s0] =	ssyncadd.s32 @!p0 s1  }
0x90: {  	[bflag:$0x3] =	sbarrier.arrive $0xFFFF  }
0x91: {  	_ =	shalt  }

// kernel: kernel.19.cloned.1.call-start
scs
__scs_entry_jumppad:
0x0: {  	(pc) =	sbr.rel $0x88, $3  }
0x1: {  	(tag) =	ssettag $0x0;
	lr =	simm.s32 $0x1  }
0x2: {  	[smem:$0x3F99] =	sst lr;
	_ =	strace $0xD0000000  }
0x3: {  	_ = 	snop  }
0x4: {  	_ = 	snop  }
0x5: {  	_ = 	snop  }
0x6: {  	_ = 	snop  }
0x7: {  	_ = 	snop  }
__scs_overlays_trampoline_lowered:
0x8: {  	[smem:$0x3FA8] =	sst s0  }
0x9: {  	[smem:$0x3FA9] =	sst s1  }
0xa: {  	[smem:$0x3FAA] =	sst s2  }
0xb: {  	[smem:$0x3FAB] =	sst s3  }
0xc: {  	[smem:$0x3FAC] =	sst s4  }
0xd: {  	[smem:$0x3FAD] =	sst s5  }
0xe: {  	[smem:$0x3FAE] =	sst s6  }
0xf: {  	[smem:$0x3FAF] =	sst s7  }
0x10: {  	[smem:$0x3FB0] =	sst s8  }
0x11: {  	[smem:$0x3FB1] =	sst s9;
	s0 =	simm.s32 @!p0 $0x0  }
0x12: {  	s1 =	sld [smem:$0x3F97];
	s0 =	simm.s32 @p0 $0x1  }
0x13: {  	[smem:$0x3FB2] =	sst s0;
	s0 =	simm.s32 @!p1 $0x0  }
0x14: {  	s2 =	sld [smem:$0x3F96];
	s0 =	simm.s32 @p1 $0x1  }
0x15: {  	[smem:$0x3FB3] =	sst s0;
	s0 =	simm.s32 @!p2 $0x0  }
0x16: {  	s3 =	sld [smem:$0x3FDB];
	s0 =	simm.s32 @p2 $0x1  }
0x17: {  	s4 =	simm.s32 $0x1BF5;
	[smem:$0x3FB5] =	sst s0  }
0x18: {  	s0 =	sld [smem:$0x3F98];
	_ =	swait.ge [sflag:s4], $0x0  }
0x19: {  	s7 =	sld [smem:$0x3F99]  }
0x1a: {  	s8 =	sadd.s32 $0xFFFFE003, lr  }
0x1b: {  	s9 =	sadd.s32 $0xFFFFFEF7, lr;
	s5 =	simm.s32 $0xFFFFFFFF;
	p2 =	slt.u32 s8, $0xFFFFF086  }
0x1c: {  	p1 =	slt.u32 s9, $0xF7A;
	s5 =	simm.s32 @!p2 $0x0  }
0x1d: {  	s5 =	simm.s32 @p1 $0x1;
	p0 =	seq.s32 s7, s2  }
0x1e: {  	s7 =	smul.u32 @!p0 $0xF7A, s2;
	p2 =	seq.s32 @!p0 s5, $0x0  }
0x1f: {  	s9 =	smul.u32 $0xF7A, s1;
	s8 =	simm.s32 @!p0 $0x1BF5;
	p2 =	por !p2, p0  }
0x20: {  	[sflag:s8] =	ssyncset.s32 @!p0 $0xFFFFF086;
	s6 =	sadd.s32 @!p0 s3, s7;
	s7 =	simm.s32 @!p0 $0x108  }
0x21: {  	s3 =	sadd.s32 s3, s9;
	s6 =	sadd.s32 @!p0 $0x88, s6;
	s7 =	simm.s32 @p2 $0x1082  }
0x22: {  	[simem:s7], [sflag:s8] =	dma.local @!p0 [hbm:s6], $0xF7A  }
0x23: {  	s9 =	sor.u32 $0xD0000000, s2;
	s6 =	simm.s32 $0x108;
	_ =	swait.ge @!p0 [sflag:s8], $0x0  }
0x24: {  	s3 =	sadd.s32 $0x88, s3;
	s6 =	simm.s32 @!p1 $0x1082;
	[sflag:s4] =	ssyncset.s32 $0xFFFFF086  }
0x25: {  	[simem:s6], [sflag:s4] =	dma.local [hbm:s3], $0xF7A  }
0x26: {  	[smem:$0x3F99] =	sst s1;
	(tag) =	ssettag s2;
	_ =	strace s9  }
0x27: {  	s1 =	sld [smem:$0x3FA9]  }
0x28: {  	s2 =	sld [smem:$0x3FAA]  }
0x29: {  	s4 =	sld [smem:$0x3FAC]  }
0x2a: {  	p0 =	seq.s32 s5, $0x0;
	s5 =	sld [smem:$0x3FAD]  }
0x2b: {  	s6 =	sld [smem:$0x3FAE]  }
0x2c: {  	s7 =	sld [smem:$0x3FAF]  }
0x2d: {  	s3 =	simm.s32 $0x108;
	s8 =	sld [smem:$0x3FB0]  }
0x2e: {  	s3 =	simm.s32 @!p0 $0x1082;
	s9 =	sld [smem:$0x3FB1]  }
0x2f: {  	lr =	sadd.s32 s0, s3;
	s0 =	sld [smem:$0x3FA8]  }
0x30: {  	s3 =	sld [smem:$0x3FAB]  }
0x31: {  	[smem:$0x3FB4] =	sst s10  }
0x32: {  	s10 =	sld [smem:$0x3FB2];
	_ =	sdelay $0x3  }
0x33: {  	p0 =	seq.s32 s10, $0x1;
	s10 =	sld [smem:$0x3FB4];
	_ =	sdelay $0x3  }
0x34: {  	[smem:$0x3FB4] =	sst s10  }
0x35: {  	s10 =	sld [smem:$0x3FB3];
	_ =	sdelay $0x3  }
0x36: {  	p1 =	seq.s32 s10, $0x1;
	s10 =	sld [smem:$0x3FB4];
	_ =	sdelay $0x3  }
0x37: {  	[smem:$0x3FB4] =	sst s10  }
0x38: {  	s10 =	sld [smem:$0x3FB5]  }
0x39: {  	_ = 	snop;
	(pc) =	sbr.ind lr, $3  }
0x3a: {  	_ = 	snop  }
0x3b: {  	_ = 	snop  }
0x3c: {  	p2 =	seq.s32 s10, $0x1;
	s10 =	sld [smem:$0x3FB4]  }
0x3d: {  	_ =	shalt  }
0x3e: {  	_ =	shalt  }
0x3f: {  	_ =	shalt  }
0x40: {  	_ =	shalt  }
0x41: {  	_ =	shalt  }
0x42: {  	_ =	shalt  }
0x43: {  	_ =	shalt  }
0x44: {  	_ =	shalt  }
0x45: {  	_ =	shalt  }
0x46: {  	_ =	shalt  }
0x47: {  	_ =	shalt  }
0x48: {  	_ =	shalt  }
0x49: {  	_ =	shalt  }
0x4a: {  	_ =	shalt  }
0x4b: {  	_ =	shalt  }
0x4c: {  	_ =	shalt  }
0x4d: {  	_ =	shalt  }
0x4e: {  	_ =	shalt  }
0x4f: {  	_ =	shalt  }
0x50: {  	_ =	shalt  }
0x51: {  	_ =	shalt  }
0x52: {  	_ =	shalt  }
0x53: {  	_ =	shalt  }
0x54: {  	_ =	shalt  }
0x55: {  	_ =	shalt  }
0x56: {  	_ =	shalt  }
0x57: {  	_ =	shalt  }
0x58: {  	_ =	shalt  }
0x59: {  	_ =	shalt  }
0x5a: {  	_ =	shalt  }
0x5b: {  	_ =	shalt  }
0x5c: {  	_ =	shalt  }
0x5d: {  	_ =	shalt  }
0x5e: {  	_ =	shalt  }
0x5f: {  	_ =	shalt  }
0x60: {  	_ =	shalt  }
0x61: {  	_ =	shalt  }
0x62: {  	_ =	shalt  }
0x63: {  	_ =	shalt  }
0x64: {  	_ =	shalt  }
0x65: {  	_ =	shalt  }
0x66: {  	_ =	shalt  }
0x67: {  	_ =	shalt  }
0x68: {  	_ =	shalt  }
0x69: {  	_ =	shalt  }
0x6a: {  	_ =	shalt  }
0x6b: {  	_ =	shalt  }
0x6c: {  	_ =	shalt  }
0x6d: {  	_ =	shalt  }
0x6e: {  	_ =	shalt  }
0x6f: {  	_ =	shalt  }
0x70: {  	_ =	shalt  }
0x71: {  	_ =	shalt  }
0x72: {  	_ =	shalt  }
0x73: {  	_ =	shalt  }
0x74: {  	_ =	shalt  }
0x75: {  	_ =	shalt  }
0x76: {  	_ =	shalt  }
0x77: {  	_ =	shalt  }
0x78: {  	_ =	shalt  }
0x79: {  	_ =	shalt  }
0x7a: {  	_ =	shalt  }
0x7b: {  	_ =	shalt  }
0x7c: {  	_ =	shalt  }
0x7d: {  	_ =	shalt  }
0x7e: {  	_ =	shalt  }
0x7f: {  	_ =	shalt  }
0x80: {  	_ =	shalt  }
0x81: {  	_ =	shalt  }
0x82: {  	_ =	shalt  }
0x83: {  	_ =	shalt  }
0x84: {  	_ =	shalt  }
0x85: {  	_ =	shalt  }
0x86: {  	_ =	shalt  }
0x87: {  	_ =	shalt  }
.Lfunc_end0:
.L_simem_size_0:
called_computation.3_lowered:
.L_overlay_start_0:
0x88: {  	s2 =	sld [smem:$0x3FD9]  }
0x89: {  	s3 =	sld [smem:$0x3FFE];
	_ =	sdelay $0x1  }
0x8a: {  	s1 =	srdreg.scid  }
0x8b: {  	s0 =	sand.u32 $0x1, s1  }
0x8c: {  	s17 =	sshll.u32 s0, $0xA;
	s2 =	sadd.s32 s3, s2  }
0x8d: {  	s2 =	sadd.s32 s2, s17  }
0x8e: {  	[smem:$0x3FC0] =	sst s2  }
0x8f: {  	_ = 	snop  }
0x90: {  	s2 =	sld [smem:$0x3FD0];
	(tm) =	ssettm $0x1  }
0x91: {  	s18 =	sld [smem:$0x3FFB];
	_ =	sdelay $0x3  }
0x92: {  	_ =	strace s18  }
0x93: {  	s3 =	sld [smem:$0x3FFC];
	_ =	sdelay $0x3  }
0x94: {  	_ =	strace s3  }
0x95: {  	s3 =	sld [smem:$0x3FFD];
	_ =	sdelay $0x3  }
0x96: {  	_ =	strace s3  }
0x97: {  	_ =	strace $0x8FFFFFFF  }
0x98: {  	s19 =	sld [smem:$0x3FDB];
	_ =	sdelay $0x1  }
0x99: {  	s4 =	simm.s32 $_scs_section_size  }
0x9a: {  	s5 =	simm.s32 $_size__tile_overlayer_lowered;
	s6 =	simm.s32 $_tile_overlayer_lowered  }
0x9b: {  	s22 =	simm.s32 $0x1BFF;
	s21 =	sshll.u32 s6, $0x1;
	s3 =	sadd.s32 s4, s19  }
0x9c: {  	s7 =	simm.s32 $0x0;
	s20 =	sshll.u32 s5, $0x1;
	s5 =	sadd.s32 s21, s3  }
0x9d: {  	[timem:s7], [sflag:s22] =	dma.local [hbm:s5], s20  }
0x9e: {  	_ =	swait.ge [sflag:s22], s20  }
0x9f: {  	s4 =	ssub.s32 $0x0, s20;
	[sflag:s22] =	ssyncset.done $0x0  }
0xa0: {  	[sflag:s22] =	ssyncadd.s32 s4;
	_ =	sdelay $0x1  }
0xa1: {  	s23 =	simm.s32 $0x1B8B  }
0xa2: {  	_ =	swait.ge [sflag:s23], $0x1  }
0xa3: {  	[sflag:s23] =	ssyncset.done $0x0  }
0xa4: {  	s25 =	simm.s32 $0x1B8E;
	s24 =	sld [smem:$0x3FFE];
	[sflag:s23] =	ssyncadd.s32 $0xFFFFFFFF  }
0xa5: {  	s26 =	simm.s32 $execute0_lowered;
	[smem:$0x3FD2] =	sst s25  }
0xa6: {  	s5 =	sshll.u32 s26, $0x1;
	_ =	strace $0x8000004F;
	[dreg:$0x1] =	wrdreg $0xFFFFFFFF  }
0xa7: {  	s28 =	simm.s32 $_size_execute0_lowered;
	s3 =	sadd.s32 s3, s5;
	[dreg:$0x0] =	wrdreg $0x0  }
0xa8: {  	s5 =	sshll.u32 s28, $0x1;
	[dreg:$0x2] =	wrdreg s3  }
0xa9: {  	[dreg:$0x3] =	wrdreg s5  }
0xaa: {  	[dreg:$0x4] =	wrdreg $0xC0  }
0xab: {  	_ =	task [dreg:s7], $0x5FFFF  }
0xac: {  	[dreg:$0x1] =	wrdreg $0xFFFFFFFF  }
0xad: {  	[dreg:$0x0] =	wrdreg $0x60  }
0xae: {  	[dreg:$0x2] =	wrdreg s2  }
0xaf: {  	[dreg:$0x3] =	wrdreg s24  }
0xb0: {  	[dreg:$0x4] =	wrdreg $0x52000  }
0xb1: {  	[dreg:$0x5] =	wrdreg $0x9  }
0xb2: {  	_ =	task.clear_ibuf [dreg:s7], $0x6FFFF;
	_ =	strace $0x9000004F  }
0xb3: {  	s29 =	simm.s32 $0x9;
	_ =	strace $0x80000051  }
0xb4: {  	_ =	swait.ge [sflag:s29], $0x1  }
0xb5: {  	[sflag:s29] =	ssyncadd.s32 $0xFFFFFFFF  }
0xb6: {  	_ =	strace $0x90000051  }
0xb7: {  	_ =	sfence  }
0xb8: {  	s30 =	sld [smem:$0x0];
	_ =	sdelay $0x2  }
0xb9: {  	s31 =	sshll.u32 s1, $0xD;
	s1 =	sshrl.u32 s1, $0x2  }
0xba: {  	s3 =	sand.u32 $0x4000, s31;
	s1 =	sadd.s32 s1, s30  }
0xbb: {  	s0 =	sor.u32 s3, s0;
	s1 =	sshll.u32 s1, $0x11  }
0xbc: {  	s0 =	sor.u32 s1, s0  }
0xbd: {  	s0 =	sadd.s32 $0x8F2B, s0  }
0xbe: {  	[sflag:s0] =	ssyncadd.remote.s32 $0x1  }
0xbf: {  	_ =	sfence.sel $0xFFFF  }
0xc0: {  	[dreg:$0x0] =	wrdreg $0xFFFFFFFF;
	(pc) =	sbr.abs _section_cstart, $3  }
0xc1: {  	[dreg:$0x1] =	wrdreg $0xFFFFFFFF  }
0xc2: {  	_ =	task.clear_ibuf [dreg:s7], $0x2FFFF;
	_ =	strace $0x9FFFFFFF  }
0xc3: {  	(tm) =	ssettm $0x7FFFFFFF  }
tec
execute0_lowered:
.L_overlay_start_1:
0x0: {  	(tag) =	ssettag $0x1  }
0x1: {  	s1 =	rddreg [dreg:$0x0]  }
0x2: {  	s5 =	rddreg [dreg:$0x1]  }
0x3: {  	s3 =	rddreg [dreg:$0x2]  }
0x4: {  	s0 =	rddreg [dreg:$0x3];
	s4 =	simm.s32 $0x0;
	s2 =	stileid.u32  }
0x5: {  	s6 =	srdreg.scid;
	s15 =	simm.s32 $0x80;
	s16 =	simm.s32 $0x50  }
0x6: {  	s17 =	simm.s32 $0x200;
	s18 =	simm.s32 $0x100;
	s19 =	simm.s32 $0x180  }
0x7: {  	s20 =	simm.s32 $0x2A00;
	s21 =	simm.s32 $0x1;
	s22 =	simm.s32 $0x2  }
0x8: {  	s23 =	simm.s32 $0x0;
	[smem:$0x7FF] =	sst s4;
	s7 =	smul.u32 $0x14000, s2  }
0x9: {  	s6 =	sand.u32 $0x1, s6;
	s12 =	sadd.s32 $0x8E800, s5;
	s25 =	smul.u32 $0x50000, s2  }
0xa: {  	s11 =	sadd.s32 $0x84800, s5;
	s14 =	smul.u32 $0x2800, s2;
	s28 =	sshll.u32 s2, $0x6  }
0xb: {  	_ =	strace $0x80000050;
	s8 =	smul.u32 $0x140000, s6;
	s10 =	ssub.s32 $0x2, s6  }
0xc: {  	s6 =	smul.u32 $0x28000, s6;
	s9 =	sshrl.u32 s7, $0x3;
	s13 =	sshrl.u32 s10, $0x1  }
0xd: {  	s9 =	sadd.s32 s9, s5;
	s7 =	sadd.s32 s7, s8;
	s8 =	sshrl.u32 s25, $0x2  }
0xe: {  	s10 =	ssub.s32 s10, s13;
	s29 =	sadd.s32 s14, s6;
	s6 =	sor.u32 $0x1C03, s28  }
0xf: {  	s7 =	sshrl.u32 s7, $0x3;
	s26 =	sadd.s32 s8, s3;
	s14 =	sor.u32 $0x50, s29  }
0x10: {  	s8 =	smax.u32 s10, $0x1;
	s31 =	sshrl.u32 s29, $0x3;
	s7 =	sadd.s32 s7, s5  }
0x11: {  	s5 =	sadd.s32 $0xC800, s9;
	s30 =	sshrl.u32 s14, $0x3;
	s13 =	sshrl.u32 s26, $0x3  }
0x12: {  	s14 =	simm.s32 $0x3;
	s7 =	sadd.s32 $0x34800, s7;
	s9 =	sadd.s32 s30, s11  }
0x13: {  	s10 =	sadd.s32 s30, s12;
	s11 =	sadd.s32 s31, s11;
	s12 =	sadd.s32 s31, s12  }
.LBB2_1:
0x14: {  	[spmem:s13], [sflag:s6] =	dma.local [hbm:s5], $0x2800  }
0x15: {  	_ =	swait.ge [sflag:s14], $0x2800  }
0x16: {  	[sflag:s14] =	ssyncset.done $0x0  }
0x17: {  	[sflag:s14] =	ssyncadd.s32 $0xFFFFD800  }
0x18: {  	s24 =	sadd.s32 $0x0, s12;
	[bflag:$0x0] =	sbarrier.arrive $0xFFFF  }
0x19: {  	[tilespmem:s4], [sflag:$0x3] =	stream.linear.gather [hbm4b:s24+s4], $0x50, $0x38;
	[tilespmem:$0x19200] =	vst v63  }
0x1a: {  	_ =	swait.ge [sflag:s14], $0x50  }
0x1b: {  	[sflag:s14] =	ssyncset.done $0x0  }
0x1c: {  	s29 =	sadd.s32 $0x0, s11;
	[sflag:s14] =	ssyncadd.s32 $0xFFFFFFB0  }
0x1d: {  	[tilespmem:s15], [sflag:$0x3] =	stream.linear.gather [hbm4b:s29+s4], $0x50, $0x38;
	[tilespmem:$0x19200] =	vst v63  }
0x1e: {  	_ =	swait.ge [sflag:s14], $0x50  }
0x1f: {  	[sflag:s14] =	ssyncset.done $0x0  }
0x20: {  	[sflag:s14] =	ssyncadd.s32 $0xFFFFFFB0  }
0x21: {  	[tilespmem:s17], [sflag:$0x1] =	stream.indirect.gather [hbm4b:s1+s16], $0x80, s4, s16, $0xb8;
	[tilespmem:$0x19200] =	vst v63  }
0x22: {  	s30 =	sadd.s32 $0x0, s10  }
0x23: {  	[tilespmem:s18], [sflag:$0x3] =	stream.linear.gather [hbm4b:s30+s4], $0x50, $0x38;
	[tilespmem:$0x19200] =	vst v63  }
0x24: {  	_ =	swait.ge [sflag:s14], $0x50  }
0x25: {  	[sflag:s14] =	ssyncset.done $0x0  }
0x26: {  	s31 =	sadd.s32 $0x0, s9;
	[sflag:s14] =	ssyncadd.s32 $0xFFFFFFB0  }
0x27: {  	[tilespmem:s19], [sflag:$0x3] =	stream.linear.gather [hbm4b:s31+s4], $0x50, $0x38;
	[tilespmem:$0x19200] =	vst v63  }
0x28: {  	_ =	swait.ge [sflag:s14], $0x50  }
0x29: {  	[sflag:s14] =	ssyncset.done $0x0  }
0x2a: {  	[sflag:s14] =	ssyncadd.s32 $0xFFFFFFB0  }
0x2b: {  	[tilespmem:s20], [sflag:$0x2] =	stream.indirect.gather [hbm4b:s1+s16], $0x80, s18, s16, $0xb8;
	[tilespmem:$0x19200] =	vst v63  }
0x2c: {  	_ =	swait.ge [sflag:s21], $0x2800  }
0x2d: {  	[sflag:s21] =	ssyncset.done $0x0  }
0x2e: {  	[sflag:s21] =	ssyncadd.s32 $0xFFFFD800  }
0x2f: {  	[spmem:s3] =	stream.indirect.scatter.add.f32 [tilespmem:s17], [sflag:$0x3], $0x80, s15, s16, $0xb8;
	[tilespmem:$0x19200] =	vst v63  }
0x30: {  	_ =	swait.ge [sflag:s14], $0x2800  }
0x31: {  	[sflag:s14] =	ssyncset.done $0x0  }
0x32: {  	[sflag:s14] =	ssyncadd.s32 $0xFFFFD800  }
0x33: {  	_ =	swait.ge [sflag:s22], $0x2800  }
0x34: {  	[sflag:s22] =	ssyncset.done $0x0  }
0x35: {  	[sflag:s22] =	ssyncadd.s32 $0xFFFFD800  }
0x36: {  	[spmem:s3] =	stream.indirect.scatter.add.f32 [tilespmem:s20], [sflag:$0x3], $0x80, s19, s16, $0xb8;
	[tilespmem:$0x19200] =	vst v63  }
0x37: {  	_ =	swait.ge [sflag:s14], $0x2800  }
0x38: {  	s26 =	simm.s32 $0x28;
	s24 =	simm.s32 $0x14;
	[sflag:s14] =	ssyncset.done $0x0  }
.LBB2_2:
0x39: {  	s28 =	sadd.s32 s24, s12  }
0x3a: {  	[sflag:s14] =	ssyncadd.s32 $0xFFFFD800;
	s29 =	smov.u32 s26;
	s25 =	sadd.s32 $0x14, s26  }
0x3b: {  	[tilespmem:s4], [sflag:$0x3] =	stream.linear.gather [hbm4b:s28+s4], $0x50, $0x38;
	[tilespmem:$0x19200] =	vst v63  }
0x3c: {  	p0 =	sne.s32 s26, $0x4EC;
	_ =	swait.ge [sflag:s14], $0x50  }
0x3d: {  	[sflag:s14] =	ssyncset.done $0x0  }
0x3e: {  	s26 =	sadd.s32 s24, s11;
	[sflag:s14] =	ssyncadd.s32 $0xFFFFFFB0  }
0x3f: {  	[tilespmem:s15], [sflag:$0x3] =	stream.linear.gather [hbm4b:s26+s4], $0x50, $0x38;
	[tilespmem:$0x19200] =	vst v63  }
0x40: {  	_ =	swait.ge [sflag:s14], $0x50  }
0x41: {  	[sflag:s14] =	ssyncset.done $0x0  }
0x42: {  	[sflag:s14] =	ssyncadd.s32 $0xFFFFFFB0  }
0x43: {  	[tilespmem:s17], [sflag:$0x1] =	stream.indirect.gather [hbm4b:s1+s16], $0x80, s4, s16, $0xb8;
	[tilespmem:$0x19200] =	vst v63  }
0x44: {  	s26 =	sadd.s32 s24, s10  }
0x45: {  	[tilespmem:s18], [sflag:$0x3] =	stream.linear.gather [hbm4b:s26+s4], $0x50, $0x38;
	[tilespmem:$0x19200] =	vst v63  }
0x46: {  	_ =	swait.ge [sflag:s14], $0x50  }
0x47: {  	[sflag:s14] =	ssyncset.done $0x0  }
0x48: {  	s26 =	sadd.s32 s24, s9;
	s24 =	smov.u32 s29;
	[sflag:s14] =	ssyncadd.s32 $0xFFFFFFB0  }
0x49: {  	[tilespmem:s19], [sflag:$0x3] =	stream.linear.gather [hbm4b:s26+s4], $0x50, $0x38;
	[tilespmem:$0x19200] =	vst v63  }
0x4a: {  	_ =	swait.ge [sflag:s14], $0x50  }
0x4b: {  	[sflag:s14] =	ssyncset.done $0x0  }
0x4c: {  	[sflag:s14] =	ssyncadd.s32 $0xFFFFFFB0  }
0x4d: {  	[tilespmem:s20], [sflag:$0x2] =	stream.indirect.gather [hbm4b:s1+s16], $0x80, s18, s16, $0xb8;
	[tilespmem:$0x19200] =	vst v63  }
0x4e: {  	_ =	swait.ge [sflag:s21], $0x2800  }
0x4f: {  	[sflag:s21] =	ssyncset.done $0x0  }
0x50: {  	[sflag:s21] =	ssyncadd.s32 $0xFFFFD800  }
0x51: {  	[spmem:s3] =	stream.indirect.scatter.add.f32 [tilespmem:s17], [sflag:$0x3], $0x80, s15, s16, $0xb8;
	[tilespmem:$0x19200] =	vst v63  }
0x52: {  	_ =	swait.ge [sflag:s14], $0x2800  }
0x53: {  	[sflag:s14] =	ssyncset.done $0x0  }
0x54: {  	[sflag:s14] =	ssyncadd.s32 $0xFFFFD800  }
0x55: {  	_ =	swait.ge [sflag:s22], $0x2800  }
.Ltmp0:
0x56: {  	[sflag:s22] =	ssyncset.done $0x0;
	(pc) =	sbr.rel @p0 .LBB2_2-.Ltmp0, $4  }
0x57: {  	[sflag:s22] =	ssyncadd.s32 $0xFFFFD800  }
0x58: {  	[spmem:s3] =	stream.indirect.scatter.add.f32 [tilespmem:s20], [sflag:$0x3], $0x80, s19, s16, $0xb8;
	[tilespmem:$0x19200] =	vst v63  }
0x59: {  	_ =	swait.ge [sflag:s14], $0x2800  }
0x5a: {  	s26 =	smov.u32 s25;
	[sflag:s14] =	ssyncset.done $0x0  }
0x5b: {  	s25 =	sadd.s32 s24, s12;
	[sflag:s14] =	ssyncadd.s32 $0xFFFFD800  }
0x5c: {  	[tilespmem:s4], [sflag:$0x3] =	stream.linear.gather [hbm4b:s25+s4], $0x50, $0x38;
	[tilespmem:$0x19200] =	vst v63  }
0x5d: {  	_ =	swait.ge [sflag:s14], $0x50  }
0x5e: {  	[sflag:s14] =	ssyncset.done $0x0  }
0x5f: {  	s29 =	sadd.s32 s24, s11;
	[sflag:s14] =	ssyncadd.s32 $0xFFFFFFB0  }
0x60: {  	[tilespmem:s15], [sflag:$0x3] =	stream.linear.gather [hbm4b:s29+s4], $0x50, $0x38;
	[tilespmem:$0x19200] =	vst v63  }
0x61: {  	_ =	swait.ge [sflag:s14], $0x50  }
0x62: {  	[sflag:s14] =	ssyncset.done $0x0  }
0x63: {  	[sflag:s14] =	ssyncadd.s32 $0xFFFFFFB0  }
0x64: {  	[tilespmem:s17], [sflag:$0x1] =	stream.indirect.gather [hbm4b:s1+s16], $0x80, s4, s16, $0xb8;
	[tilespmem:$0x19200] =	vst v63  }
0x65: {  	s30 =	sadd.s32 s24, s10  }
0x66: {  	[tilespmem:s18], [sflag:$0x3] =	stream.linear.gather [hbm4b:s30+s4], $0x50, $0x38;
	[tilespmem:$0x19200] =	vst v63  }
0x67: {  	_ =	swait.ge [sflag:s14], $0x50  }
0x68: {  	[sflag:s14] =	ssyncset.done $0x0  }
0x69: {  	s31 =	sadd.s32 s24, s9;
	[sflag:s14] =	ssyncadd.s32 $0xFFFFFFB0  }
0x6a: {  	[tilespmem:s19], [sflag:$0x3] =	stream.linear.gather [hbm4b:s31+s4], $0x50, $0x38;
	[tilespmem:$0x19200] =	vst v63  }
0x6b: {  	_ =	swait.ge [sflag:s14], $0x50  }
0x6c: {  	[sflag:s14] =	ssyncset.done $0x0  }
0x6d: {  	[sflag:s14] =	ssyncadd.s32 $0xFFFFFFB0  }
0x6e: {  	[tilespmem:s20], [sflag:$0x2] =	stream.indirect.gather [hbm4b:s1+s16], $0x80, s18, s16, $0xb8;
	[tilespmem:$0x19200] =	vst v63  }
0x6f: {  	_ =	swait.ge [sflag:s21], $0x2800  }
0x70: {  	[sflag:s21] =	ssyncset.done $0x0  }
0x71: {  	[sflag:s21] =	ssyncadd.s32 $0xFFFFD800  }
0x72: {  	[spmem:s3] =	stream.indirect.scatter.add.f32 [tilespmem:s17], [sflag:$0x3], $0x80, s15, s16, $0xb8;
	[tilespmem:$0x19200] =	vst v63  }
0x73: {  	_ =	swait.ge [sflag:s14], $0x2800  }
0x74: {  	[sflag:s14] =	ssyncset.done $0x0  }
0x75: {  	[sflag:s14] =	ssyncadd.s32 $0xFFFFD800  }
0x76: {  	_ =	swait.ge [sflag:s22], $0x2800  }
0x77: {  	[sflag:s22] =	ssyncset.done $0x0  }
0x78: {  	[sflag:s22] =	ssyncadd.s32 $0xFFFFD800  }
0x79: {  	[spmem:s3] =	stream.indirect.scatter.add.f32 [tilespmem:s20], [sflag:$0x3], $0x80, s19, s16, $0xb8;
	[tilespmem:$0x19200] =	vst v63  }
0x7a: {  	_ =	swait.ge [sflag:s14], $0x2800  }
0x7b: {  	s23 =	sadd.s32 $0x1, s23;
	[sflag:s14] =	ssyncset.done $0x0  }
0x7c: {  	p0 =	sne.s32 s23, s8;
	[sflag:s14] =	ssyncadd.s32 $0xFFFFD800  }
.Ltmp1:
0x7d: {  	[bflag:$0x0] =	sbarrier.arrive $0xFFFF;
	(pc) =	sbr.rel @p0 .LBB2_1-.Ltmp1, $4  }
0x7e: {  	[hbm:s7], [sflag:s6] =	dma.local [spmem:s13], $0x2800  }
0x7f: {  	_ =	swait.ge [sflag:s14], $0x2800  }
0x80: {  	[sflag:s14] =	ssyncset.done $0x0  }
0x81: {  	[sflag:s14] =	ssyncadd.s32 $0xFFFFD800  }
0x82: {  	_ =	sfence.sel $0x180000  }
0x83: {  	[bflag:$0x0] =	sbarrier.arrive $0xFFFF  }
0x84: {  	p0 =	sne.s32 s2, $0x0;
	_ =	strace $0x90000050  }
0x85: {  	s0 =	sadd.s32 @!p0 $0x100000, s0;
	[bflag:$0x2] =	sbarrier.arrive $0xFFFF  }
0x86: {  	[sflag:s0] =	ssyncadd.tile.s32 @!p0 $0x1;
	_ =	shalt  }
.Lfunc_end2:
_tile_overlayer_lowered:
.L_overlay_start_2:
0x87: {  	(tag) =	ssettag $0x2  }
0x88: {  	s0 =	rddreg [dreg:$0x0];
	s2 =	stileid.u32  }
0x89: {  	s1 =	rddreg [dreg:$0x1];
	p0 =	sne.s32 s2, $0x0  }
0x8a: {  	s3 =	rddreg [dreg:$0x2];
	[bflag:$0x3] =	sbarrier.arrive $0xFFFF;
	s2 =	simm.s32 @!p0 $0x1C03  }
0x8b: {  	[timem:s3], [sflag:s2] =	dma.local @!p0 [hbm:s0], s1  }
0x8c: {  	s0 =	simm.s32 @!p0 $0x3  }
0x8d: {  	_ =	swait.ge @!p0 [sflag:s0], s1  }
0x8e: {  	s1 =	ssub.s32 @!p0 $0x0, s1;
	[sflag:s0] =	ssyncset.done @!p0 $0x0  }
0x8f: {  	[sflag:s0] =	ssyncadd.s32 @!p0 s1  }
0x90: {  	[bflag:$0x3] =	sbarrier.arrive $0xFFFF  }
0x91: {  	_ =	shalt  }

</sc_bundles>
